<compile_context>
chip_gen: v7x
topology: tpu7x:2x2x1
jax: 0.10.2.dev20260603
libtpu: 0.0.44.dev20260713+nightly
codegen_flags: <defaults>
</compile_context>

<pallas_src>
import functools

import jax
import jax.numpy as jnp
from jax import lax
from jax.experimental import pallas as pl
from jax.experimental.pallas import tpu as pltpu
from jax.experimental.pallas import tpu_sc as plsc

VOCAB = 1000000
D = 64
B = 1024
S = 200
F = 4

NC = 2
NS = 16
NW = NC * NS

N = B * S * F
N_W = N // NW
CHUNK = 128
NCH = N_W // CHUNK
NBUF = 4
BLKR = NBUF * CHUNK
NBLK = NCH // NBUF


def _gather_body(idx_hbm, table_hbm, out_hbm, idx_v, rows0, rows1, gsem, osem):
    wid = lax.axis_index("s") * NC + lax.axis_index("c")
    base = wid * N_W
    table2 = table_hbm
    pltpu.sync_copy(idx_hbm.at[wid], idx_v)
    bufs = (rows0, rows1)

    def fill(jb, buf):
        copies = [
            pltpu.async_copy(
                table2.at[idx_v.at[jb * NBUF + b]],
                buf.at[pl.ds(b * CHUNK, CHUNK)],
                gsem,
            )
            for b in range(NBUF)
        ]
        for cpy in copies:
            cpy.wait()
        pltpu.async_copy(buf, out_hbm.at[pl.ds(base + jb * BLKR, BLKR)], osem)

    for p in range(2):
        fill(p, bufs[p])

    def blk2(j2, _):
        for p in range(2):
            pltpu.make_async_copy(
                bufs[p], out_hbm.at[pl.ds(base, BLKR)], osem
            ).wait()
            fill(j2 * 2 + p, bufs[p])
        return 0

    lax.fori_loop(1, NBLK // 2, blk2, 0)

    for p in range(2):
        pltpu.make_async_copy(
            bufs[p], out_hbm.at[pl.ds(base, BLKR)], osem
        ).wait()


_gather = functools.partial(
    pl.kernel,
    mesh=plsc.VectorSubcoreMesh(core_axis_name="c", subcore_axis_name="s"),
    out_type=jax.ShapeDtypeStruct((N, D), jnp.float32),
    compiler_params=pltpu.CompilerParams(use_tc_tiling_on_sc=False),
    scratch_types=[
        pltpu.VMEM((NCH, CHUNK), jnp.int32),
        pltpu.VMEM((BLKR, D), jnp.float32),
        pltpu.VMEM((BLKR, D), jnp.float32),
        pltpu.SemaphoreType.DMA,
        pltpu.SemaphoreType.DMA,
    ],
)(_gather_body)


def kernel(table, idx_f0, idx_f1, idx_f2, idx_f3, seq_lens):
    del seq_lens
    idx = jnp.stack(
        [idx_f0, idx_f1, idx_f2, idx_f3], axis=-1
    )
    idx = idx.reshape(B, S // 8, 8, 2, 2)
    idx = idx.transpose(0, 1, 3, 2, 4)
    idx = idx.reshape(NW, NCH, CHUNK)
    out = _gather(idx, table)
    out = out.reshape(B, S // 8, 2, 8, 2 * D)
    out = out.transpose(0, 1, 3, 2, 4)
    return out.reshape(B, S, F * D)

# --- scband reference (transcript-rebuilt; emitter-appended) ---
"""Pipeline reference for scband-trx-encoder-glove-11355893530789 (READ-ONLY COPY).

The authoritative reference and input builder live on the scoring server;
editing this copy changes nothing except your own understanding.
"""

import jax, jax.numpy as jnp
import numpy as np

VOCAB = 1000000
EMBED_DIM = 64
BATCH = 1024
SEQ = 200
NUM_FEATURES = 4


def setup_inputs(seed: int = 0) -> dict:
    key = jax.random.key(seed)
    ks = jax.random.split(key, NUM_FEATURES + 2)
    table = jax.random.normal(ks[0], (VOCAB, EMBED_DIM), dtype=jnp.float32) * 0.02
    inp = {"table": table}
    for i in range(NUM_FEATURES):
        inp[f"idx_f{i}"] = jax.random.randint(ks[i + 1], (BATCH, SEQ), 0, VOCAB, dtype=jnp.int32)
    inp["seq_lens"] = jax.random.randint(ks[NUM_FEATURES + 1], (BATCH,), 1, SEQ + 1, dtype=jnp.int32)
    return inp


def reference(table, idx_f0, idx_f1, idx_f2, idx_f3, seq_lens):
    # TrxEncoderGlove.forward with agg_type='cat': per-feature embedding lookup
    # into the shared (mean-aggregated) GloVe table, concatenated on dim 2.
    # PaddedBatch is a thin wrapper; we return its payload tensor.
    out = []
    for idx in (idx_f0, idx_f1, idx_f2, idx_f3):
        out.append(jnp.take(table, idx, axis=0))
    out = jnp.concatenate(out, axis=2)
    return out

if __name__ == "__main__":
    import jax
    _d = setup_inputs()
    print(jax.jit(kernel)(*tuple(_d.values())))

</pallas_src>

<mosaic_0001>
#map = affine_map<(d0, d1) -> (0, 0, 0)>
#map1 = affine_map<(d0, d1) -> (0, 0)>
module attributes {stable_mosaic.version = 14 : i64} {
  func.func @_gather_body(%arg0: i32, %arg1: i32, %arg2: memref<32x200x128xi32, #tpu.memory_space<hbm>>, %arg3: memref<1000000x64xf32, #tpu.memory_space<hbm>>, %arg4: memref<819200x64xf32, #tpu.memory_space<hbm>>, %arg5: memref<200x128xi32, #tpu.memory_space<vmem>>, %arg6: memref<512x64xf32, #tpu.memory_space<vmem>>, %arg7: memref<512x64xf32, #tpu.memory_space<vmem>>, %arg8: memref<!tpu.dma_semaphore, #tpu.memory_space<semaphore_mem>>, %arg9: memref<!tpu.dma_semaphore, #tpu.memory_space<semaphore_mem>>) attributes {dimension_semantics = [#tpu.dimension_semantics<core_parallel>, #tpu.dimension_semantics<subcore_parallel>], iteration_bounds = array<i64: 2, 16>, scalar_prefetch = 0 : i64, scratch_operands = 5 : i64, tpu.core_type = #tpu.core_type<sc_vector_subcore>, window_params = [{transform_indices = #map}, {transform_indices = #map1}, {transform_indices = #map1}]} {
    %mul3A = arith.constant 2 : i32
    %mul3A_0 = arith.muli %arg1, %mul3A : i32
    %add3A = arith.addi %mul3A_0, %arg0 : i32
    %mul3A_1 = arith.constant 25600 : i32
    %mul3A_2 = arith.muli %add3A, %mul3A_1 : i32
    "tpu.region"() ({
      %run_scoped3A = tpu.sem_alloc : memref<!tpu.dma_semaphore, #tpu.memory_space<semaphore_mem>>
      %dma_start3A_187 = arith.constant 0 : i32
      %dma_start3A_188 = arith.constant 0 : i32
      %dma_start3A_189 = tpu.memref_slice %arg2[%add3A, %dma_start3A_187, %dma_start3A_188] : memref<32x200x128xi32, #tpu.memory_space<hbm>> -> memref<1x200x128xi32, #tpu.memory_space<hbm>>
      %dma_start3A_190 = tpu.memref_squeeze %dma_start3A_189 : memref<1x200x128xi32, #tpu.memory_space<hbm>> -> memref<200x128xi32, #tpu.memory_space<hbm>>
      %dma_start3A_191 = arith.constant 0 : i32
      %dma_start3A_192 = arith.constant 0 : i32
      %dma_start3A_193 = tpu.memref_slice %arg2[%add3A, %dma_start3A_191, %dma_start3A_192] : memref<32x200x128xi32, #tpu.memory_space<hbm>> -> memref<1x200x128xi32, #tpu.memory_space<hbm>>
      %dma_start3A_194 = tpu.memref_squeeze %dma_start3A_193 : memref<1x200x128xi32, #tpu.memory_space<hbm>> -> memref<200x128xi32, #tpu.memory_space<hbm>>
      tpu.enqueue_dma source(%dma_start3A_194 : memref<200x128xi32, #tpu.memory_space<hbm>>) target(%arg5 : memref<200x128xi32, #tpu.memory_space<vmem>>) target_semaphore(%run_scoped3A : memref<!tpu.dma_semaphore, #tpu.memory_space<semaphore_mem>>)
      %dma_wait3A_195 = arith.constant 0 : i32
      %dma_wait3A_196 = arith.constant 0 : i32
      %dma_wait3A_197 = tpu.memref_slice %arg2[%add3A, %dma_wait3A_195, %dma_wait3A_196] : memref<32x200x128xi32, #tpu.memory_space<hbm>> -> memref<1x200x128xi32, #tpu.memory_space<hbm>>
      %dma_wait3A_198 = tpu.memref_squeeze %dma_wait3A_197 : memref<1x200x128xi32, #tpu.memory_space<hbm>> -> memref<200x128xi32, #tpu.memory_space<hbm>>
      %dma_wait3A_199 = arith.constant 0 : i32
      %dma_wait3A_200 = arith.constant 0 : i32
      %dma_wait3A_201 = tpu.memref_slice %arg2[%add3A, %dma_wait3A_199, %dma_wait3A_200] : memref<32x200x128xi32, #tpu.memory_space<hbm>> -> memref<1x200x128xi32, #tpu.memory_space<hbm>>
      %dma_wait3A_202 = tpu.memref_squeeze %dma_wait3A_201 : memref<1x200x128xi32, #tpu.memory_space<hbm>> -> memref<200x128xi32, #tpu.memory_space<hbm>>
      tpu.wait_dma2 semaphore(%run_scoped3A : memref<!tpu.dma_semaphore, #tpu.memory_space<semaphore_mem>>) src(%dma_wait3A_202 : memref<200x128xi32, #tpu.memory_space<hbm>>) dst(%arg5 : memref<200x128xi32, #tpu.memory_space<vmem>>)
      tpu.yield
    }) : () -> ()
    %dma_start3A = arith.constant 0 : i32
    %dma_start3A_3 = arith.constant 0 : i32
    %dma_start3A_4 = arith.constant 0 : i32
    %dma_start3A_5 = tpu.memref_slice %arg6[%dma_start3A_3, %dma_start3A_4] : memref<512x64xf32, #tpu.memory_space<vmem>> -> memref<128x64xf32, #tpu.memory_space<vmem>>
    %dma_start3A_6 = arith.constant 0 : i32
    %dma_start3A_7 = tpu.memref_slice %arg5[%dma_start3A, %dma_start3A_6] : memref<200x128xi32, #tpu.memory_space<vmem>> -> memref<1x128xi32, #tpu.memory_space<vmem>>
    %dma_start3A_8 = tpu.memref_squeeze %dma_start3A_7 : memref<1x128xi32, #tpu.memory_space<vmem>> -> memref<128xi32, #tpu.memory_space<vmem>>
    %dma_start3A_9 = arith.constant 0 : i32
    %dma_start3A_10 = arith.constant 0 : i32
    %dma_start3A_11 = tpu.memref_slice %arg3[%dma_start3A_9, %dma_start3A_10] : memref<1000000x64xf32, #tpu.memory_space<hbm>> -> memref<1000000x64xf32, #tpu.memory_space<hbm>>
    tpu.enqueue_indirect_dma source(%dma_start3A_11 : memref<1000000x64xf32, #tpu.memory_space<hbm>>) target(%dma_start3A_5 : memref<128x64xf32, #tpu.memory_space<vmem>>) offsets(%dma_start3A_8 : memref<128xi32, #tpu.memory_space<vmem>>) semaphore(%arg8 : memref<!tpu.dma_semaphore, #tpu.memory_space<semaphore_mem>>)
    %dma_start3A_12 = arith.constant 1 : i32
    %dma_start3A_13 = arith.constant 128 : i32
    %dma_start3A_14 = arith.constant 0 : i32
    %dma_start3A_15 = tpu.memref_slice %arg6[%dma_start3A_13, %dma_start3A_14] : memref<512x64xf32, #tpu.memory_space<vmem>> -> memref<128x64xf32, #tpu.memory_space<vmem>>
    %dma_start3A_16 = arith.constant 0 : i32
    %dma_start3A_17 = tpu.memref_slice %arg5[%dma_start3A_12, %dma_start3A_16] : memref<200x128xi32, #tpu.memory_space<vmem>> -> memref<1x128xi32, #tpu.memory_space<vmem>>
    %dma_start3A_18 = tpu.memref_squeeze %dma_start3A_17 : memref<1x128xi32, #tpu.memory_space<vmem>> -> memref<128xi32, #tpu.memory_space<vmem>>
    %dma_start3A_19 = arith.constant 0 : i32
    %dma_start3A_20 = arith.constant 0 : i32
    %dma_start3A_21 = tpu.memref_slice %arg3[%dma_start3A_19, %dma_start3A_20] : memref<1000000x64xf32, #tpu.memory_space<hbm>> -> memref<1000000x64xf32, #tpu.memory_space<hbm>>
    tpu.enqueue_indirect_dma source(%dma_start3A_21 : memref<1000000x64xf32, #tpu.memory_space<hbm>>) target(%dma_start3A_15 : memref<128x64xf32, #tpu.memory_space<vmem>>) offsets(%dma_start3A_18 : memref<128xi32, #tpu.memory_space<vmem>>) semaphore(%arg8 : memref<!tpu.dma_semaphore, #tpu.memory_space<semaphore_mem>>)
    %dma_start3A_22 = arith.constant 2 : i32
    %dma_start3A_23 = arith.constant 256 : i32
    %dma_start3A_24 = arith.constant 0 : i32
    %dma_start3A_25 = tpu.memref_slice %arg6[%dma_start3A_23, %dma_start3A_24] : memref<512x64xf32, #tpu.memory_space<vmem>> -> memref<128x64xf32, #tpu.memory_space<vmem>>
    %dma_start3A_26 = arith.constant 0 : i32
    %dma_start3A_27 = tpu.memref_slice %arg5[%dma_start3A_22, %dma_start3A_26] : memref<200x128xi32, #tpu.memory_space<vmem>> -> memref<1x128xi32, #tpu.memory_space<vmem>>
    %dma_start3A_28 = tpu.memref_squeeze %dma_start3A_27 : memref<1x128xi32, #tpu.memory_space<vmem>> -> memref<128xi32, #tpu.memory_space<vmem>>
    %dma_start3A_29 = arith.constant 0 : i32
    %dma_start3A_30 = arith.constant 0 : i32
    %dma_start3A_31 = tpu.memref_slice %arg3[%dma_start3A_29, %dma_start3A_30] : memref<1000000x64xf32, #tpu.memory_space<hbm>> -> memref<1000000x64xf32, #tpu.memory_space<hbm>>
    tpu.enqueue_indirect_dma source(%dma_start3A_31 : memref<1000000x64xf32, #tpu.memory_space<hbm>>) target(%dma_start3A_25 : memref<128x64xf32, #tpu.memory_space<vmem>>) offsets(%dma_start3A_28 : memref<128xi32, #tpu.memory_space<vmem>>) semaphore(%arg8 : memref<!tpu.dma_semaphore, #tpu.memory_space<semaphore_mem>>)
    %dma_start3A_32 = arith.constant 3 : i32
    %dma_start3A_33 = arith.constant 384 : i32
    %dma_start3A_34 = arith.constant 0 : i32
    %dma_start3A_35 = tpu.memref_slice %arg6[%dma_start3A_33, %dma_start3A_34] : memref<512x64xf32, #tpu.memory_space<vmem>> -> memref<128x64xf32, #tpu.memory_space<vmem>>
    %dma_start3A_36 = arith.constant 0 : i32
    %dma_start3A_37 = tpu.memref_slice %arg5[%dma_start3A_32, %dma_start3A_36] : memref<200x128xi32, #tpu.memory_space<vmem>> -> memref<1x128xi32, #tpu.memory_space<vmem>>
    %dma_start3A_38 = tpu.memref_squeeze %dma_start3A_37 : memref<1x128xi32, #tpu.memory_space<vmem>> -> memref<128xi32, #tpu.memory_space<vmem>>
    %dma_start3A_39 = arith.constant 0 : i32
    %dma_start3A_40 = arith.constant 0 : i32
    %dma_start3A_41 = tpu.memref_slice %arg3[%dma_start3A_39, %dma_start3A_40] : memref<1000000x64xf32, #tpu.memory_space<hbm>> -> memref<1000000x64xf32, #tpu.memory_space<hbm>>
    tpu.enqueue_indirect_dma source(%dma_start3A_41 : memref<1000000x64xf32, #tpu.memory_space<hbm>>) target(%dma_start3A_35 : memref<128x64xf32, #tpu.memory_space<vmem>>) offsets(%dma_start3A_38 : memref<128xi32, #tpu.memory_space<vmem>>) semaphore(%arg8 : memref<!tpu.dma_semaphore, #tpu.memory_space<semaphore_mem>>)
    %dma_wait3A = arith.constant 0 : i32
    %dma_wait3A_42 = arith.constant 0 : i32
    %dma_wait3A_43 = arith.constant 0 : i32
    %dma_wait3A_44 = tpu.memref_slice %arg6[%dma_wait3A_42, %dma_wait3A_43] : memref<512x64xf32, #tpu.memory_space<vmem>> -> memref<128x64xf32, #tpu.memory_space<vmem>>
    %dma_wait3A_45 = arith.constant 0 : i32
    %dma_wait3A_46 = tpu.memref_slice %arg5[%dma_wait3A, %dma_wait3A_45] : memref<200x128xi32, #tpu.memory_space<vmem>> -> memref<1x128xi32, #tpu.memory_space<vmem>>
    %dma_wait3A_47 = tpu.memref_squeeze %dma_wait3A_46 : memref<1x128xi32, #tpu.memory_space<vmem>> -> memref<128xi32, #tpu.memory_space<vmem>>
    %dma_wait3A_48 = arith.constant 0 : i32
    %dma_wait3A_49 = arith.constant 0 : i32
    %dma_wait3A_50 = tpu.memref_slice %arg3[%dma_wait3A_48, %dma_wait3A_49] : memref<1000000x64xf32, #tpu.memory_space<hbm>> -> memref<1000000x64xf32, #tpu.memory_space<hbm>>
    tpu.wait_indirect_dma semaphore(%arg8 : memref<!tpu.dma_semaphore, #tpu.memory_space<semaphore_mem>>) src(%dma_wait3A_50 : memref<1000000x64xf32, #tpu.memory_space<hbm>>) dst(%dma_wait3A_44 : memref<128x64xf32, #tpu.memory_space<vmem>>)
    %dma_wait3A_51 = arith.constant 1 : i32
    %dma_wait3A_52 = arith.constant 128 : i32
    %dma_wait3A_53 = arith.constant 0 : i32
    %dma_wait3A_54 = tpu.memref_slice %arg6[%dma_wait3A_52, %dma_wait3A_53] : memref<512x64xf32, #tpu.memory_space<vmem>> -> memref<128x64xf32, #tpu.memory_space<vmem>>
    %dma_wait3A_55 = arith.constant 0 : i32
    %dma_wait3A_56 = tpu.memref_slice %arg5[%dma_wait3A_51, %dma_wait3A_55] : memref<200x128xi32, #tpu.memory_space<vmem>> -> memref<1x128xi32, #tpu.memory_space<vmem>>
    %dma_wait3A_57 = tpu.memref_squeeze %dma_wait3A_56 : memref<1x128xi32, #tpu.memory_space<vmem>> -> memref<128xi32, #tpu.memory_space<vmem>>
    %dma_wait3A_58 = arith.constant 0 : i32
    %dma_wait3A_59 = arith.constant 0 : i32
    %dma_wait3A_60 = tpu.memref_slice %arg3[%dma_wait3A_58, %dma_wait3A_59] : memref<1000000x64xf32, #tpu.memory_space<hbm>> -> memref<1000000x64xf32, #tpu.memory_space<hbm>>
    tpu.wait_indirect_dma semaphore(%arg8 : memref<!tpu.dma_semaphore, #tpu.memory_space<semaphore_mem>>) src(%dma_wait3A_60 : memref<1000000x64xf32, #tpu.memory_space<hbm>>) dst(%dma_wait3A_54 : memref<128x64xf32, #tpu.memory_space<vmem>>)
    %dma_wait3A_61 = arith.constant 2 : i32
    %dma_wait3A_62 = arith.constant 256 : i32
    %dma_wait3A_63 = arith.constant 0 : i32
    %dma_wait3A_64 = tpu.memref_slice %arg6[%dma_wait3A_62, %dma_wait3A_63] : memref<512x64xf32, #tpu.memory_space<vmem>> -> memref<128x64xf32, #tpu.memory_space<vmem>>
    %dma_wait3A_65 = arith.constant 0 : i32
    %dma_wait3A_66 = tpu.memref_slice %arg5[%dma_wait3A_61, %dma_wait3A_65] : memref<200x128xi32, #tpu.memory_space<vmem>> -> memref<1x128xi32, #tpu.memory_space<vmem>>
    %dma_wait3A_67 = tpu.memref_squeeze %dma_wait3A_66 : memref<1x128xi32, #tpu.memory_space<vmem>> -> memref<128xi32, #tpu.memory_space<vmem>>
    %dma_wait3A_68 = arith.constant 0 : i32
    %dma_wait3A_69 = arith.constant 0 : i32
    %dma_wait3A_70 = tpu.memref_slice %arg3[%dma_wait3A_68, %dma_wait3A_69] : memref<1000000x64xf32, #tpu.memory_space<hbm>> -> memref<1000000x64xf32, #tpu.memory_space<hbm>>
    tpu.wait_indirect_dma semaphore(%arg8 : memref<!tpu.dma_semaphore, #tpu.memory_space<semaphore_mem>>) src(%dma_wait3A_70 : memref<1000000x64xf32, #tpu.memory_space<hbm>>) dst(%dma_wait3A_64 : memref<128x64xf32, #tpu.memory_space<vmem>>)
    %dma_wait3A_71 = arith.constant 3 : i32
    %dma_wait3A_72 = arith.constant 384 : i32
    %dma_wait3A_73 = arith.constant 0 : i32
    %dma_wait3A_74 = tpu.memref_slice %arg6[%dma_wait3A_72, %dma_wait3A_73] : memref<512x64xf32, #tpu.memory_space<vmem>> -> memref<128x64xf32, #tpu.memory_space<vmem>>
    %dma_wait3A_75 = arith.constant 0 : i32
    %dma_wait3A_76 = tpu.memref_slice %arg5[%dma_wait3A_71, %dma_wait3A_75] : memref<200x128xi32, #tpu.memory_space<vmem>> -> memref<1x128xi32, #tpu.memory_space<vmem>>
    %dma_wait3A_77 = tpu.memref_squeeze %dma_wait3A_76 : memref<1x128xi32, #tpu.memory_space<vmem>> -> memref<128xi32, #tpu.memory_space<vmem>>
    %dma_wait3A_78 = arith.constant 0 : i32
    %dma_wait3A_79 = arith.constant 0 : i32
    %dma_wait3A_80 = tpu.memref_slice %arg3[%dma_wait3A_78, %dma_wait3A_79] : memref<1000000x64xf32, #tpu.memory_space<hbm>> -> memref<1000000x64xf32, #tpu.memory_space<hbm>>
    tpu.wait_indirect_dma semaphore(%arg8 : memref<!tpu.dma_semaphore, #tpu.memory_space<semaphore_mem>>) src(%dma_wait3A_80 : memref<1000000x64xf32, #tpu.memory_space<hbm>>) dst(%dma_wait3A_74 : memref<128x64xf32, #tpu.memory_space<vmem>>)
    %add3A_81 = arith.constant 0 : i32
    %add3A_82 = arith.addi %mul3A_2, %add3A_81 : i32
    %dma_start3A_83 = arith.constant 0 : i32
    %dma_start3A_84 = tpu.memref_slice %arg4[%add3A_82, %dma_start3A_83] : memref<819200x64xf32, #tpu.memory_space<hbm>> -> memref<512x64xf32, #tpu.memory_space<hbm>>
    %dma_start3A_85 = arith.constant 0 : i32
    %dma_start3A_86 = tpu.memref_slice %arg4[%add3A_82, %dma_start3A_85] : memref<819200x64xf32, #tpu.memory_space<hbm>> -> memref<512x64xf32, #tpu.memory_space<hbm>>
    tpu.enqueue_dma source(%arg6 : memref<512x64xf32, #tpu.memory_space<vmem>>) target(%dma_start3A_86 : memref<512x64xf32, #tpu.memory_space<hbm>>) target_semaphore(%arg9 : memref<!tpu.dma_semaphore, #tpu.memory_space<semaphore_mem>>)
    %dma_start3A_87 = arith.constant 4 : i32
    %dma_start3A_88 = arith.constant 0 : i32
    %dma_start3A_89 = arith.constant 0 : i32
    %dma_start3A_90 = tpu.memref_slice %arg7[%dma_start3A_88, %dma_start3A_89] : memref<512x64xf32, #tpu.memory_space<vmem>> -> memref<128x64xf32, #tpu.memory_space<vmem>>
    %dma_start3A_91 = arith.constant 0 : i32
    %dma_start3A_92 = tpu.memref_slice %arg5[%dma_start3A_87, %dma_start3A_91] : memref<200x128xi32, #tpu.memory_space<vmem>> -> memref<1x128xi32, #tpu.memory_space<vmem>>
    %dma_start3A_93 = tpu.memref_squeeze %dma_start3A_92 : memref<1x128xi32, #tpu.memory_space<vmem>> -> memref<128xi32, #tpu.memory_space<vmem>>
    %dma_start3A_94 = arith.constant 0 : i32
    %dma_start3A_95 = arith.constant 0 : i32
    %dma_start3A_96 = tpu.memref_slice %arg3[%dma_start3A_94, %dma_start3A_95] : memref<1000000x64xf32, #tpu.memory_space<hbm>> -> memref<1000000x64xf32, #tpu.memory_space<hbm>>
    tpu.enqueue_indirect_dma source(%dma_start3A_96 : memref<1000000x64xf32, #tpu.memory_space<hbm>>) target(%dma_start3A_90 : memref<128x64xf32, #tpu.memory_space<vmem>>) offsets(%dma_start3A_93 : memref<128xi32, #tpu.memory_space<vmem>>) semaphore(%arg8 : memref<!tpu.dma_semaphore, #tpu.memory_space<semaphore_mem>>)
    %dma_start3A_97 = arith.constant 5 : i32
    %dma_start3A_98 = arith.constant 128 : i32
    %dma_start3A_99 = arith.constant 0 : i32
    %dma_start3A_100 = tpu.memref_slice %arg7[%dma_start3A_98, %dma_start3A_99] : memref<512x64xf32, #tpu.memory_space<vmem>> -> memref<128x64xf32, #tpu.memory_space<vmem>>
    %dma_start3A_101 = arith.constant 0 : i32
    %dma_start3A_102 = tpu.memref_slice %arg5[%dma_start3A_97, %dma_start3A_101] : memref<200x128xi32, #tpu.memory_space<vmem>> -> memref<1x128xi32, #tpu.memory_space<vmem>>
    %dma_start3A_103 = tpu.memref_squeeze %dma_start3A_102 : memref<1x128xi32, #tpu.memory_space<vmem>> -> memref<128xi32, #tpu.memory_space<vmem>>
    %dma_start3A_104 = arith.constant 0 : i32
    %dma_start3A_105 = arith.constant 0 : i32
    %dma_start3A_106 = tpu.memref_slice %arg3[%dma_start3A_104, %dma_start3A_105] : memref<1000000x64xf32, #tpu.memory_space<hbm>> -> memref<1000000x64xf32, #tpu.memory_space<hbm>>
    tpu.enqueue_indirect_dma source(%dma_start3A_106 : memref<1000000x64xf32, #tpu.memory_space<hbm>>) target(%dma_start3A_100 : memref<128x64xf32, #tpu.memory_space<vmem>>) offsets(%dma_start3A_103 : memref<128xi32, #tpu.memory_space<vmem>>) semaphore(%arg8 : memref<!tpu.dma_semaphore, #tpu.memory_space<semaphore_mem>>)
    %dma_start3A_107 = arith.constant 6 : i32
    %dma_start3A_108 = arith.constant 256 : i32
    %dma_start3A_109 = arith.constant 0 : i32
    %dma_start3A_110 = tpu.memref_slice %arg7[%dma_start3A_108, %dma_start3A_109] : memref<512x64xf32, #tpu.memory_space<vmem>> -> memref<128x64xf32, #tpu.memory_space<vmem>>
    %dma_start3A_111 = arith.constant 0 : i32
    %dma_start3A_112 = tpu.memref_slice %arg5[%dma_start3A_107, %dma_start3A_111] : memref<200x128xi32, #tpu.memory_space<vmem>> -> memref<1x128xi32, #tpu.memory_space<vmem>>
    %dma_start3A_113 = tpu.memref_squeeze %dma_start3A_112 : memref<1x128xi32, #tpu.memory_space<vmem>> -> memref<128xi32, #tpu.memory_space<vmem>>
    %dma_start3A_114 = arith.constant 0 : i32
    %dma_start3A_115 = arith.constant 0 : i32
    %dma_start3A_116 = tpu.memref_slice %arg3[%dma_start3A_114, %dma_start3A_115] : memref<1000000x64xf32, #tpu.memory_space<hbm>> -> memref<1000000x64xf32, #tpu.memory_space<hbm>>
    tpu.enqueue_indirect_dma source(%dma_start3A_116 : memref<1000000x64xf32, #tpu.memory_space<hbm>>) target(%dma_start3A_110 : memref<128x64xf32, #tpu.memory_space<vmem>>) offsets(%dma_start3A_113 : memref<128xi32, #tpu.memory_space<vmem>>) semaphore(%arg8 : memref<!tpu.dma_semaphore, #tpu.memory_space<semaphore_mem>>)
    %dma_start3A_117 = arith.constant 7 : i32
    %dma_start3A_118 = arith.constant 384 : i32
    %dma_start3A_119 = arith.constant 0 : i32
    %dma_start3A_120 = tpu.memref_slice %arg7[%dma_start3A_118, %dma_start3A_119] : memref<512x64xf32, #tpu.memory_space<vmem>> -> memref<128x64xf32, #tpu.memory_space<vmem>>
    %dma_start3A_121 = arith.constant 0 : i32
    %dma_start3A_122 = tpu.memref_slice %arg5[%dma_start3A_117, %dma_start3A_121] : memref<200x128xi32, #tpu.memory_space<vmem>> -> memref<1x128xi32, #tpu.memory_space<vmem>>
    %dma_start3A_123 = tpu.memref_squeeze %dma_start3A_122 : memref<1x128xi32, #tpu.memory_space<vmem>> -> memref<128xi32, #tpu.memory_space<vmem>>
    %dma_start3A_124 = arith.constant 0 : i32
    %dma_start3A_125 = arith.constant 0 : i32
    %dma_start3A_126 = tpu.memref_slice %arg3[%dma_start3A_124, %dma_start3A_125] : memref<1000000x64xf32, #tpu.memory_space<hbm>> -> memref<1000000x64xf32, #tpu.memory_space<hbm>>
    tpu.enqueue_indirect_dma source(%dma_start3A_126 : memref<1000000x64xf32, #tpu.memory_space<hbm>>) target(%dma_start3A_120 : memref<128x64xf32, #tpu.memory_space<vmem>>) offsets(%dma_start3A_123 : memref<128xi32, #tpu.memory_space<vmem>>) semaphore(%arg8 : memref<!tpu.dma_semaphore, #tpu.memory_space<semaphore_mem>>)
    %dma_wait3A_127 = arith.constant 4 : i32
    %dma_wait3A_128 = arith.constant 0 : i32
    %dma_wait3A_129 = arith.constant 0 : i32
    %dma_wait3A_130 = tpu.memref_slice %arg7[%dma_wait3A_128, %dma_wait3A_129] : memref<512x64xf32, #tpu.memory_space<vmem>> -> memref<128x64xf32, #tpu.memory_space<vmem>>
    %dma_wait3A_131 = arith.constant 0 : i32
    %dma_wait3A_132 = tpu.memref_slice %arg5[%dma_wait3A_127, %dma_wait3A_131] : memref<200x128xi32, #tpu.memory_space<vmem>> -> memref<1x128xi32, #tpu.memory_space<vmem>>
    %dma_wait3A_133 = tpu.memref_squeeze %dma_wait3A_132 : memref<1x128xi32, #tpu.memory_space<vmem>> -> memref<128xi32, #tpu.memory_space<vmem>>
    %dma_wait3A_134 = arith.constant 0 : i32
    %dma_wait3A_135 = arith.constant 0 : i32
    %dma_wait3A_136 = tpu.memref_slice %arg3[%dma_wait3A_134, %dma_wait3A_135] : memref<1000000x64xf32, #tpu.memory_space<hbm>> -> memref<1000000x64xf32, #tpu.memory_space<hbm>>
    tpu.wait_indirect_dma semaphore(%arg8 : memref<!tpu.dma_semaphore, #tpu.memory_space<semaphore_mem>>) src(%dma_wait3A_136 : memref<1000000x64xf32, #tpu.memory_space<hbm>>) dst(%dma_wait3A_130 : memref<128x64xf32, #tpu.memory_space<vmem>>)
    %dma_wait3A_137 = arith.constant 5 : i32
    %dma_wait3A_138 = arith.constant 128 : i32
    %dma_wait3A_139 = arith.constant 0 : i32
    %dma_wait3A_140 = tpu.memref_slice %arg7[%dma_wait3A_138, %dma_wait3A_139] : memref<512x64xf32, #tpu.memory_space<vmem>> -> memref<128x64xf32, #tpu.memory_space<vmem>>
    %dma_wait3A_141 = arith.constant 0 : i32
    %dma_wait3A_142 = tpu.memref_slice %arg5[%dma_wait3A_137, %dma_wait3A_141] : memref<200x128xi32, #tpu.memory_space<vmem>> -> memref<1x128xi32, #tpu.memory_space<vmem>>
    %dma_wait3A_143 = tpu.memref_squeeze %dma_wait3A_142 : memref<1x128xi32, #tpu.memory_space<vmem>> -> memref<128xi32, #tpu.memory_space<vmem>>
    %dma_wait3A_144 = arith.constant 0 : i32
    %dma_wait3A_145 = arith.constant 0 : i32
    %dma_wait3A_146 = tpu.memref_slice %arg3[%dma_wait3A_144, %dma_wait3A_145] : memref<1000000x64xf32, #tpu.memory_space<hbm>> -> memref<1000000x64xf32, #tpu.memory_space<hbm>>
    tpu.wait_indirect_dma semaphore(%arg8 : memref<!tpu.dma_semaphore, #tpu.memory_space<semaphore_mem>>) src(%dma_wait3A_146 : memref<1000000x64xf32, #tpu.memory_space<hbm>>) dst(%dma_wait3A_140 : memref<128x64xf32, #tpu.memory_space<vmem>>)
    %dma_wait3A_147 = arith.constant 6 : i32
    %dma_wait3A_148 = arith.constant 256 : i32
    %dma_wait3A_149 = arith.constant 0 : i32
    %dma_wait3A_150 = tpu.memref_slice %arg7[%dma_wait3A_148, %dma_wait3A_149] : memref<512x64xf32, #tpu.memory_space<vmem>> -> memref<128x64xf32, #tpu.memory_space<vmem>>
    %dma_wait3A_151 = arith.constant 0 : i32
    %dma_wait3A_152 = tpu.memref_slice %arg5[%dma_wait3A_147, %dma_wait3A_151] : memref<200x128xi32, #tpu.memory_space<vmem>> -> memref<1x128xi32, #tpu.memory_space<vmem>>
    %dma_wait3A_153 = tpu.memref_squeeze %dma_wait3A_152 : memref<1x128xi32, #tpu.memory_space<vmem>> -> memref<128xi32, #tpu.memory_space<vmem>>
    %dma_wait3A_154 = arith.constant 0 : i32
    %dma_wait3A_155 = arith.constant 0 : i32
    %dma_wait3A_156 = tpu.memref_slice %arg3[%dma_wait3A_154, %dma_wait3A_155] : memref<1000000x64xf32, #tpu.memory_space<hbm>> -> memref<1000000x64xf32, #tpu.memory_space<hbm>>
    tpu.wait_indirect_dma semaphore(%arg8 : memref<!tpu.dma_semaphore, #tpu.memory_space<semaphore_mem>>) src(%dma_wait3A_156 : memref<1000000x64xf32, #tpu.memory_space<hbm>>) dst(%dma_wait3A_150 : memref<128x64xf32, #tpu.memory_space<vmem>>)
    %dma_wait3A_157 = arith.constant 7 : i32
    %dma_wait3A_158 = arith.constant 384 : i32
    %dma_wait3A_159 = arith.constant 0 : i32
    %dma_wait3A_160 = tpu.memref_slice %arg7[%dma_wait3A_158, %dma_wait3A_159] : memref<512x64xf32, #tpu.memory_space<vmem>> -> memref<128x64xf32, #tpu.memory_space<vmem>>
    %dma_wait3A_161 = arith.constant 0 : i32
    %dma_wait3A_162 = tpu.memref_slice %arg5[%dma_wait3A_157, %dma_wait3A_161] : memref<200x128xi32, #tpu.memory_space<vmem>> -> memref<1x128xi32, #tpu.memory_space<vmem>>
    %dma_wait3A_163 = tpu.memref_squeeze %dma_wait3A_162 : memref<1x128xi32, #tpu.memory_space<vmem>> -> memref<128xi32, #tpu.memory_space<vmem>>
    %dma_wait3A_164 = arith.constant 0 : i32
    %dma_wait3A_165 = arith.constant 0 : i32
    %dma_wait3A_166 = tpu.memref_slice %arg3[%dma_wait3A_164, %dma_wait3A_165] : memref<1000000x64xf32, #tpu.memory_space<hbm>> -> memref<1000000x64xf32, #tpu.memory_space<hbm>>
    tpu.wait_indirect_dma semaphore(%arg8 : memref<!tpu.dma_semaphore, #tpu.memory_space<semaphore_mem>>) src(%dma_wait3A_166 : memref<1000000x64xf32, #tpu.memory_space<hbm>>) dst(%dma_wait3A_160 : memref<128x64xf32, #tpu.memory_space<vmem>>)
    %add3A_167 = arith.constant 512 : i32
    %add3A_168 = arith.addi %mul3A_2, %add3A_167 : i32
    %dma_start3A_169 = arith.constant 0 : i32
    %dma_start3A_170 = tpu.memref_slice %arg4[%add3A_168, %dma_start3A_169] : memref<819200x64xf32, #tpu.memory_space<hbm>> -> memref<512x64xf32, #tpu.memory_space<hbm>>
    %dma_start3A_171 = arith.constant 0 : i32
    %dma_start3A_172 = tpu.memref_slice %arg4[%add3A_168, %dma_start3A_171] : memref<819200x64xf32, #tpu.memory_space<hbm>> -> memref<512x64xf32, #tpu.memory_space<hbm>>
    tpu.enqueue_dma source(%arg7 : memref<512x64xf32, #tpu.memory_space<vmem>>) target(%dma_start3A_172 : memref<512x64xf32, #tpu.memory_space<hbm>>) target_semaphore(%arg9 : memref<!tpu.dma_semaphore, #tpu.memory_space<semaphore_mem>>)
    %scan3A = arith.constant 0 : i32
    %scan3A_173 = arith.constant 1 : i32
    %scan3A_174 = arith.constant 24 : i32
    %scan3A_175 = arith.addi %scan3A_173, %scan3A_174 : i32
    %scan3A_176 = arith.constant 1 : i32
    %scan3A_177 = scf.for %scan3A_187 = %scan3A_173 to %scan3A_175 step %scan3A_176 iter_args(%scan3A_188 = %scan3A) -> (i32)  : i32 {
      %dma_wait3A_189 = arith.constant 0 : i32
      %dma_wait3A_190 = tpu.memref_slice %arg4[%mul3A_2, %dma_wait3A_189] : memref<819200x64xf32, #tpu.memory_space<hbm>> -> memref<512x64xf32, #tpu.memory_space<hbm>>
      %dma_wait3A_191 = arith.constant 0 : i32
      %dma_wait3A_192 = tpu.memref_slice %arg4[%mul3A_2, %dma_wait3A_191] : memref<819200x64xf32, #tpu.memory_space<hbm>> -> memref<512x64xf32, #tpu.memory_space<hbm>>
      tpu.wait_dma2 semaphore(%arg9 : memref<!tpu.dma_semaphore, #tpu.memory_space<semaphore_mem>>) src(%arg6 : memref<512x64xf32, #tpu.memory_space<vmem>>) dst(%dma_wait3A_192 : memref<512x64xf32, #tpu.memory_space<hbm>>)
      %mul3A_193 = arith.constant 2 : i32
      %mul3A_194 = arith.muli %scan3A_187, %mul3A_193 : i32
      %add3A_195 = arith.constant 0 : i32
      %add3A_196 = arith.addi %mul3A_194, %add3A_195 : i32
      %mul3A_197 = arith.constant 4 : i32
      %mul3A_198 = arith.muli %add3A_196, %mul3A_197 : i32
      %add3A_199 = arith.constant 0 : i32
      %add3A_200 = arith.addi %mul3A_198, %add3A_199 : i32
      %dma_start3A_201 = arith.constant 0 : i32
      %dma_start3A_202 = arith.constant 0 : i32
      %dma_start3A_203 = tpu.memref_slice %arg6[%dma_start3A_201, %dma_start3A_202] : memref<512x64xf32, #tpu.memory_space<vmem>> -> memref<128x64xf32, #tpu.memory_space<vmem>>
      %dma_start3A_204 = arith.constant 0 : i32
      %dma_start3A_205 = tpu.memref_slice %arg5[%add3A_200, %dma_start3A_204] : memref<200x128xi32, #tpu.memory_space<vmem>> -> memref<1x128xi32, #tpu.memory_space<vmem>>
      %dma_start3A_206 = tpu.memref_squeeze %dma_start3A_205 : memref<1x128xi32, #tpu.memory_space<vmem>> -> memref<128xi32, #tpu.memory_space<vmem>>
      %dma_start3A_207 = arith.constant 0 : i32
      %dma_start3A_208 = arith.constant 0 : i32
      %dma_start3A_209 = tpu.memref_slice %arg3[%dma_start3A_207, %dma_start3A_208] : memref<1000000x64xf32, #tpu.memory_space<hbm>> -> memref<1000000x64xf32, #tpu.memory_space<hbm>>
      tpu.enqueue_indirect_dma source(%dma_start3A_209 : memref<1000000x64xf32, #tpu.memory_space<hbm>>) target(%dma_start3A_203 : memref<128x64xf32, #tpu.memory_space<vmem>>) offsets(%dma_start3A_206 : memref<128xi32, #tpu.memory_space<vmem>>) semaphore(%arg8 : memref<!tpu.dma_semaphore, #tpu.memory_space<semaphore_mem>>)
      %mul3A_210 = arith.constant 4 : i32
      %mul3A_211 = arith.muli %add3A_196, %mul3A_210 : i32
      %add3A_212 = arith.constant 1 : i32
      %add3A_213 = arith.addi %mul3A_211, %add3A_212 : i32
      %dma_start3A_214 = arith.constant 128 : i32
      %dma_start3A_215 = arith.constant 0 : i32
      %dma_start3A_216 = tpu.memref_slice %arg6[%dma_start3A_214, %dma_start3A_215] : memref<512x64xf32, #tpu.memory_space<vmem>> -> memref<128x64xf32, #tpu.memory_space<vmem>>
      %dma_start3A_217 = arith.constant 0 : i32
      %dma_start3A_218 = tpu.memref_slice %arg5[%add3A_213, %dma_start3A_217] : memref<200x128xi32, #tpu.memory_space<vmem>> -> memref<1x128xi32, #tpu.memory_space<vmem>>
      %dma_start3A_219 = tpu.memref_squeeze %dma_start3A_218 : memref<1x128xi32, #tpu.memory_space<vmem>> -> memref<128xi32, #tpu.memory_space<vmem>>
      %dma_start3A_220 = arith.constant 0 : i32
      %dma_start3A_221 = arith.constant 0 : i32
      %dma_start3A_222 = tpu.memref_slice %arg3[%dma_start3A_220, %dma_start3A_221] : memref<1000000x64xf32, #tpu.memory_space<hbm>> -> memref<1000000x64xf32, #tpu.memory_space<hbm>>
      tpu.enqueue_indirect_dma source(%dma_start3A_222 : memref<1000000x64xf32, #tpu.memory_space<hbm>>) target(%dma_start3A_216 : memref<128x64xf32, #tpu.memory_space<vmem>>) offsets(%dma_start3A_219 : memref<128xi32, #tpu.memory_space<vmem>>) semaphore(%arg8 : memref<!tpu.dma_semaphore, #tpu.memory_space<semaphore_mem>>)
      %mul3A_223 = arith.constant 4 : i32
      %mul3A_224 = arith.muli %add3A_196, %mul3A_223 : i32
      %add3A_225 = arith.constant 2 : i32
      %add3A_226 = arith.addi %mul3A_224, %add3A_225 : i32
      %dma_start3A_227 = arith.constant 256 : i32
      %dma_start3A_228 = arith.constant 0 : i32
      %dma_start3A_229 = tpu.memref_slice %arg6[%dma_start3A_227, %dma_start3A_228] : memref<512x64xf32, #tpu.memory_space<vmem>> -> memref<128x64xf32, #tpu.memory_space<vmem>>
      %dma_start3A_230 = arith.constant 0 : i32
      %dma_start3A_231 = tpu.memref_slice %arg5[%add3A_226, %dma_start3A_230] : memref<200x128xi32, #tpu.memory_space<vmem>> -> memref<1x128xi32, #tpu.memory_space<vmem>>
      %dma_start3A_232 = tpu.memref_squeeze %dma_start3A_231 : memref<1x128xi32, #tpu.memory_space<vmem>> -> memref<128xi32, #tpu.memory_space<vmem>>
      %dma_start3A_233 = arith.constant 0 : i32
      %dma_start3A_234 = arith.constant 0 : i32
      %dma_start3A_235 = tpu.memref_slice %arg3[%dma_start3A_233, %dma_start3A_234] : memref<1000000x64xf32, #tpu.memory_space<hbm>> -> memref<1000000x64xf32, #tpu.memory_space<hbm>>
      tpu.enqueue_indirect_dma source(%dma_start3A_235 : memref<1000000x64xf32, #tpu.memory_space<hbm>>) target(%dma_start3A_229 : memref<128x64xf32, #tpu.memory_space<vmem>>) offsets(%dma_start3A_232 : memref<128xi32, #tpu.memory_space<vmem>>) semaphore(%arg8 : memref<!tpu.dma_semaphore, #tpu.memory_space<semaphore_mem>>)
      %mul3A_236 = arith.constant 4 : i32
      %mul3A_237 = arith.muli %add3A_196, %mul3A_236 : i32
      %add3A_238 = arith.constant 3 : i32
      %add3A_239 = arith.addi %mul3A_237, %add3A_238 : i32
      %dma_start3A_240 = arith.constant 384 : i32
      %dma_start3A_241 = arith.constant 0 : i32
      %dma_start3A_242 = tpu.memref_slice %arg6[%dma_start3A_240, %dma_start3A_241] : memref<512x64xf32, #tpu.memory_space<vmem>> -> memref<128x64xf32, #tpu.memory_space<vmem>>
      %dma_start3A_243 = arith.constant 0 : i32
      %dma_start3A_244 = tpu.memref_slice %arg5[%add3A_239, %dma_start3A_243] : memref<200x128xi32, #tpu.memory_space<vmem>> -> memref<1x128xi32, #tpu.memory_space<vmem>>
      %dma_start3A_245 = tpu.memref_squeeze %dma_start3A_244 : memref<1x128xi32, #tpu.memory_space<vmem>> -> memref<128xi32, #tpu.memory_space<vmem>>
      %dma_start3A_246 = arith.constant 0 : i32
      %dma_start3A_247 = arith.constant 0 : i32
      %dma_start3A_248 = tpu.memref_slice %arg3[%dma_start3A_246, %dma_start3A_247] : memref<1000000x64xf32, #tpu.memory_space<hbm>> -> memref<1000000x64xf32, #tpu.memory_space<hbm>>
      tpu.enqueue_indirect_dma source(%dma_start3A_248 : memref<1000000x64xf32, #tpu.memory_space<hbm>>) target(%dma_start3A_242 : memref<128x64xf32, #tpu.memory_space<vmem>>) offsets(%dma_start3A_245 : memref<128xi32, #tpu.memory_space<vmem>>) semaphore(%arg8 : memref<!tpu.dma_semaphore, #tpu.memory_space<semaphore_mem>>)
      %dma_wait3A_249 = arith.constant 0 : i32
      %dma_wait3A_250 = arith.constant 0 : i32
      %dma_wait3A_251 = tpu.memref_slice %arg6[%dma_wait3A_249, %dma_wait3A_250] : memref<512x64xf32, #tpu.memory_space<vmem>> -> memref<128x64xf32, #tpu.memory_space<vmem>>
      %dma_wait3A_252 = arith.constant 0 : i32
      %dma_wait3A_253 = tpu.memref_slice %arg5[%add3A_200, %dma_wait3A_252] : memref<200x128xi32, #tpu.memory_space<vmem>> -> memref<1x128xi32, #tpu.memory_space<vmem>>
      %dma_wait3A_254 = tpu.memref_squeeze %dma_wait3A_253 : memref<1x128xi32, #tpu.memory_space<vmem>> -> memref<128xi32, #tpu.memory_space<vmem>>
      %dma_wait3A_255 = arith.constant 0 : i32
      %dma_wait3A_256 = arith.constant 0 : i32
      %dma_wait3A_257 = tpu.memref_slice %arg3[%dma_wait3A_255, %dma_wait3A_256] : memref<1000000x64xf32, #tpu.memory_space<hbm>> -> memref<1000000x64xf32, #tpu.memory_space<hbm>>
      tpu.wait_indirect_dma semaphore(%arg8 : memref<!tpu.dma_semaphore, #tpu.memory_space<semaphore_mem>>) src(%dma_wait3A_257 : memref<1000000x64xf32, #tpu.memory_space<hbm>>) dst(%dma_wait3A_251 : memref<128x64xf32, #tpu.memory_space<vmem>>)
      %dma_wait3A_258 = arith.constant 128 : i32
      %dma_wait3A_259 = arith.constant 0 : i32
      %dma_wait3A_260 = tpu.memref_slice %arg6[%dma_wait3A_258, %dma_wait3A_259] : memref<512x64xf32, #tpu.memory_space<vmem>> -> memref<128x64xf32, #tpu.memory_space<vmem>>
      %dma_wait3A_261 = arith.constant 0 : i32
      %dma_wait3A_262 = tpu.memref_slice %arg5[%add3A_213, %dma_wait3A_261] : memref<200x128xi32, #tpu.memory_space<vmem>> -> memref<1x128xi32, #tpu.memory_space<vmem>>
      %dma_wait3A_263 = tpu.memref_squeeze %dma_wait3A_262 : memref<1x128xi32, #tpu.memory_space<vmem>> -> memref<128xi32, #tpu.memory_space<vmem>>
      %dma_wait3A_264 = arith.constant 0 : i32
      %dma_wait3A_265 = arith.constant 0 : i32
      %dma_wait3A_266 = tpu.memref_slice %arg3[%dma_wait3A_264, %dma_wait3A_265] : memref<1000000x64xf32, #tpu.memory_space<hbm>> -> memref<1000000x64xf32, #tpu.memory_space<hbm>>
      tpu.wait_indirect_dma semaphore(%arg8 : memref<!tpu.dma_semaphore, #tpu.memory_space<semaphore_mem>>) src(%dma_wait3A_266 : memref<1000000x64xf32, #tpu.memory_space<hbm>>) dst(%dma_wait3A_260 : memref<128x64xf32, #tpu.memory_space<vmem>>)
      %dma_wait3A_267 = arith.constant 256 : i32
      %dma_wait3A_268 = arith.constant 0 : i32
      %dma_wait3A_269 = tpu.memref_slice %arg6[%dma_wait3A_267, %dma_wait3A_268] : memref<512x64xf32, #tpu.memory_space<vmem>> -> memref<128x64xf32, #tpu.memory_space<vmem>>
      %dma_wait3A_270 = arith.constant 0 : i32
      %dma_wait3A_271 = tpu.memref_slice %arg5[%add3A_226, %dma_wait3A_270] : memref<200x128xi32, #tpu.memory_space<vmem>> -> memref<1x128xi32, #tpu.memory_space<vmem>>
      %dma_wait3A_272 = tpu.memref_squeeze %dma_wait3A_271 : memref<1x128xi32, #tpu.memory_space<vmem>> -> memref<128xi32, #tpu.memory_space<vmem>>
      %dma_wait3A_273 = arith.constant 0 : i32
      %dma_wait3A_274 = arith.constant 0 : i32
      %dma_wait3A_275 = tpu.memref_slice %arg3[%dma_wait3A_273, %dma_wait3A_274] : memref<1000000x64xf32, #tpu.memory_space<hbm>> -> memref<1000000x64xf32, #tpu.memory_space<hbm>>
      tpu.wait_indirect_dma semaphore(%arg8 : memref<!tpu.dma_semaphore, #tpu.memory_space<semaphore_mem>>) src(%dma_wait3A_275 : memref<1000000x64xf32, #tpu.memory_space<hbm>>) dst(%dma_wait3A_269 : memref<128x64xf32, #tpu.memory_space<vmem>>)
      %dma_wait3A_276 = arith.constant 384 : i32
      %dma_wait3A_277 = arith.constant 0 : i32
      %dma_wait3A_278 = tpu.memref_slice %arg6[%dma_wait3A_276, %dma_wait3A_277] : memref<512x64xf32, #tpu.memory_space<vmem>> -> memref<128x64xf32, #tpu.memory_space<vmem>>
      %dma_wait3A_279 = arith.constant 0 : i32
      %dma_wait3A_280 = tpu.memref_slice %arg5[%add3A_239, %dma_wait3A_279] : memref<200x128xi32, #tpu.memory_space<vmem>> -> memref<1x128xi32, #tpu.memory_space<vmem>>
      %dma_wait3A_281 = tpu.memref_squeeze %dma_wait3A_280 : memref<1x128xi32, #tpu.memory_space<vmem>> -> memref<128xi32, #tpu.memory_space<vmem>>
      %dma_wait3A_282 = arith.constant 0 : i32
      %dma_wait3A_283 = arith.constant 0 : i32
      %dma_wait3A_284 = tpu.memref_slice %arg3[%dma_wait3A_282, %dma_wait3A_283] : memref<1000000x64xf32, #tpu.memory_space<hbm>> -> memref<1000000x64xf32, #tpu.memory_space<hbm>>
      tpu.wait_indirect_dma semaphore(%arg8 : memref<!tpu.dma_semaphore, #tpu.memory_space<semaphore_mem>>) src(%dma_wait3A_284 : memref<1000000x64xf32, #tpu.memory_space<hbm>>) dst(%dma_wait3A_278 : memref<128x64xf32, #tpu.memory_space<vmem>>)
      %mul3A_285 = arith.constant 512 : i32
      %mul3A_286 = arith.muli %add3A_196, %mul3A_285 : i32
      %add3A_287 = arith.addi %mul3A_2, %mul3A_286 : i32
      %dma_start3A_288 = arith.constant 0 : i32
      %dma_start3A_289 = tpu.memref_slice %arg4[%add3A_287, %dma_start3A_288] : memref<819200x64xf32, #tpu.memory_space<hbm>> -> memref<512x64xf32, #tpu.memory_space<hbm>>
      %dma_start3A_290 = arith.constant 0 : i32
      %dma_start3A_291 = tpu.memref_slice %arg4[%add3A_287, %dma_start3A_290] : memref<819200x64xf32, #tpu.memory_space<hbm>> -> memref<512x64xf32, #tpu.memory_space<hbm>>
      tpu.enqueue_dma source(%arg6 : memref<512x64xf32, #tpu.memory_space<vmem>>) target(%dma_start3A_291 : memref<512x64xf32, #tpu.memory_space<hbm>>) target_semaphore(%arg9 : memref<!tpu.dma_semaphore, #tpu.memory_space<semaphore_mem>>)
      %dma_wait3A_292 = arith.constant 0 : i32
      %dma_wait3A_293 = tpu.memref_slice %arg4[%mul3A_2, %dma_wait3A_292] : memref<819200x64xf32, #tpu.memory_space<hbm>> -> memref<512x64xf32, #tpu.memory_space<hbm>>
      %dma_wait3A_294 = arith.constant 0 : i32
      %dma_wait3A_295 = tpu.memref_slice %arg4[%mul3A_2, %dma_wait3A_294] : memref<819200x64xf32, #tpu.memory_space<hbm>> -> memref<512x64xf32, #tpu.memory_space<hbm>>
      tpu.wait_dma2 semaphore(%arg9 : memref<!tpu.dma_semaphore, #tpu.memory_space<semaphore_mem>>) src(%arg7 : memref<512x64xf32, #tpu.memory_space<vmem>>) dst(%dma_wait3A_295 : memref<512x64xf32, #tpu.memory_space<hbm>>)
      %mul3A_296 = arith.constant 2 : i32
      %mul3A_297 = arith.muli %scan3A_187, %mul3A_296 : i32
      %add3A_298 = arith.constant 1 : i32
      %add3A_299 = arith.addi %mul3A_297, %add3A_298 : i32
      %mul3A_300 = arith.constant 4 : i32
      %mul3A_301 = arith.muli %add3A_299, %mul3A_300 : i32
      %add3A_302 = arith.constant 0 : i32
      %add3A_303 = arith.addi %mul3A_301, %add3A_302 : i32
      %dma_start3A_304 = arith.constant 0 : i32
      %dma_start3A_305 = arith.constant 0 : i32
      %dma_start3A_306 = tpu.memref_slice %arg7[%dma_start3A_304, %dma_start3A_305] : memref<512x64xf32, #tpu.memory_space<vmem>> -> memref<128x64xf32, #tpu.memory_space<vmem>>
      %dma_start3A_307 = arith.constant 0 : i32
      %dma_start3A_308 = tpu.memref_slice %arg5[%add3A_303, %dma_start3A_307] : memref<200x128xi32, #tpu.memory_space<vmem>> -> memref<1x128xi32, #tpu.memory_space<vmem>>
      %dma_start3A_309 = tpu.memref_squeeze %dma_start3A_308 : memref<1x128xi32, #tpu.memory_space<vmem>> -> memref<128xi32, #tpu.memory_space<vmem>>
      %dma_start3A_310 = arith.constant 0 : i32
      %dma_start3A_311 = arith.constant 0 : i32
      %dma_start3A_312 = tpu.memref_slice %arg3[%dma_start3A_310, %dma_start3A_311] : memref<1000000x64xf32, #tpu.memory_space<hbm>> -> memref<1000000x64xf32, #tpu.memory_space<hbm>>
      tpu.enqueue_indirect_dma source(%dma_start3A_312 : memref<1000000x64xf32, #tpu.memory_space<hbm>>) target(%dma_start3A_306 : memref<128x64xf32, #tpu.memory_space<vmem>>) offsets(%dma_start3A_309 : memref<128xi32, #tpu.memory_space<vmem>>) semaphore(%arg8 : memref<!tpu.dma_semaphore, #tpu.memory_space<semaphore_mem>>)
      %mul3A_313 = arith.constant 4 : i32
      %mul3A_314 = arith.muli %add3A_299, %mul3A_313 : i32
      %add3A_315 = arith.constant 1 : i32
      %add3A_316 = arith.addi %mul3A_314, %add3A_315 : i32
      %dma_start3A_317 = arith.constant 128 : i32
      %dma_start3A_318 = arith.constant 0 : i32
      %dma_start3A_319 = tpu.memref_slice %arg7[%dma_start3A_317, %dma_start3A_318] : memref<512x64xf32, #tpu.memory_space<vmem>> -> memref<128x64xf32, #tpu.memory_space<vmem>>
      %dma_start3A_320 = arith.constant 0 : i32
      %dma_start3A_321 = tpu.memref_slice %arg5[%add3A_316, %dma_start3A_320] : memref<200x128xi32, #tpu.memory_space<vmem>> -> memref<1x128xi32, #tpu.memory_space<vmem>>
      %dma_start3A_322 = tpu.memref_squeeze %dma_start3A_321 : memref<1x128xi32, #tpu.memory_space<vmem>> -> memref<128xi32, #tpu.memory_space<vmem>>
      %dma_start3A_323 = arith.constant 0 : i32
      %dma_start3A_324 = arith.constant 0 : i32
      %dma_start3A_325 = tpu.memref_slice %arg3[%dma_start3A_323, %dma_start3A_324] : memref<1000000x64xf32, #tpu.memory_space<hbm>> -> memref<1000000x64xf32, #tpu.memory_space<hbm>>
      tpu.enqueue_indirect_dma source(%dma_start3A_325 : memref<1000000x64xf32, #tpu.memory_space<hbm>>) target(%dma_start3A_319 : memref<128x64xf32, #tpu.memory_space<vmem>>) offsets(%dma_start3A_322 : memref<128xi32, #tpu.memory_space<vmem>>) semaphore(%arg8 : memref<!tpu.dma_semaphore, #tpu.memory_space<semaphore_mem>>)
      %mul3A_326 = arith.constant 4 : i32
      %mul3A_327 = arith.muli %add3A_299, %mul3A_326 : i32
      %add3A_328 = arith.constant 2 : i32
      %add3A_329 = arith.addi %mul3A_327, %add3A_328 : i32
      %dma_start3A_330 = arith.constant 256 : i32
      %dma_start3A_331 = arith.constant 0 : i32
      %dma_start3A_332 = tpu.memref_slice %arg7[%dma_start3A_330, %dma_start3A_331] : memref<512x64xf32, #tpu.memory_space<vmem>> -> memref<128x64xf32, #tpu.memory_space<vmem>>
      %dma_start3A_333 = arith.constant 0 : i32
      %dma_start3A_334 = tpu.memref_slice %arg5[%add3A_329, %dma_start3A_333] : memref<200x128xi32, #tpu.memory_space<vmem>> -> memref<1x128xi32, #tpu.memory_space<vmem>>
      %dma_start3A_335 = tpu.memref_squeeze %dma_start3A_334 : memref<1x128xi32, #tpu.memory_space<vmem>> -> memref<128xi32, #tpu.memory_space<vmem>>
      %dma_start3A_336 = arith.constant 0 : i32
      %dma_start3A_337 = arith.constant 0 : i32
      %dma_start3A_338 = tpu.memref_slice %arg3[%dma_start3A_336, %dma_start3A_337] : memref<1000000x64xf32, #tpu.memory_space<hbm>> -> memref<1000000x64xf32, #tpu.memory_space<hbm>>
      tpu.enqueue_indirect_dma source(%dma_start3A_338 : memref<1000000x64xf32, #tpu.memory_space<hbm>>) target(%dma_start3A_332 : memref<128x64xf32, #tpu.memory_space<vmem>>) offsets(%dma_start3A_335 : memref<128xi32, #tpu.memory_space<vmem>>) semaphore(%arg8 : memref<!tpu.dma_semaphore, #tpu.memory_space<semaphore_mem>>)
      %mul3A_339 = arith.constant 4 : i32
      %mul3A_340 = arith.muli %add3A_299, %mul3A_339 : i32
      %add3A_341 = arith.constant 3 : i32
      %add3A_342 = arith.addi %mul3A_340, %add3A_341 : i32
      %dma_start3A_343 = arith.constant 384 : i32
      %dma_start3A_344 = arith.constant 0 : i32
      %dma_start3A_345 = tpu.memref_slice %arg7[%dma_start3A_343, %dma_start3A_344] : memref<512x64xf32, #tpu.memory_space<vmem>> -> memref<128x64xf32, #tpu.memory_space<vmem>>
      %dma_start3A_346 = arith.constant 0 : i32
      %dma_start3A_347 = tpu.memref_slice %arg5[%add3A_342, %dma_start3A_346] : memref<200x128xi32, #tpu.memory_space<vmem>> -> memref<1x128xi32, #tpu.memory_space<vmem>>
      %dma_start3A_348 = tpu.memref_squeeze %dma_start3A_347 : memref<1x128xi32, #tpu.memory_space<vmem>> -> memref<128xi32, #tpu.memory_space<vmem>>
      %dma_start3A_349 = arith.constant 0 : i32
      %dma_start3A_350 = arith.constant 0 : i32
      %dma_start3A_351 = tpu.memref_slice %arg3[%dma_start3A_349, %dma_start3A_350] : memref<1000000x64xf32, #tpu.memory_space<hbm>> -> memref<1000000x64xf32, #tpu.memory_space<hbm>>
      tpu.enqueue_indirect_dma source(%dma_start3A_351 : memref<1000000x64xf32, #tpu.memory_space<hbm>>) target(%dma_start3A_345 : memref<128x64xf32, #tpu.memory_space<vmem>>) offsets(%dma_start3A_348 : memref<128xi32, #tpu.memory_space<vmem>>) semaphore(%arg8 : memref<!tpu.dma_semaphore, #tpu.memory_space<semaphore_mem>>)
      %dma_wait3A_352 = arith.constant 0 : i32
      %dma_wait3A_353 = arith.constant 0 : i32
      %dma_wait3A_354 = tpu.memref_slice %arg7[%dma_wait3A_352, %dma_wait3A_353] : memref<512x64xf32, #tpu.memory_space<vmem>> -> memref<128x64xf32, #tpu.memory_space<vmem>>
      %dma_wait3A_355 = arith.constant 0 : i32
      %dma_wait3A_356 = tpu.memref_slice %arg5[%add3A_303, %dma_wait3A_355] : memref<200x128xi32, #tpu.memory_space<vmem>> -> memref<1x128xi32, #tpu.memory_space<vmem>>
      %dma_wait3A_357 = tpu.memref_squeeze %dma_wait3A_356 : memref<1x128xi32, #tpu.memory_space<vmem>> -> memref<128xi32, #tpu.memory_space<vmem>>
      %dma_wait3A_358 = arith.constant 0 : i32
      %dma_wait3A_359 = arith.constant 0 : i32
      %dma_wait3A_360 = tpu.memref_slice %arg3[%dma_wait3A_358, %dma_wait3A_359] : memref<1000000x64xf32, #tpu.memory_space<hbm>> -> memref<1000000x64xf32, #tpu.memory_space<hbm>>
      tpu.wait_indirect_dma semaphore(%arg8 : memref<!tpu.dma_semaphore, #tpu.memory_space<semaphore_mem>>) src(%dma_wait3A_360 : memref<1000000x64xf32, #tpu.memory_space<hbm>>) dst(%dma_wait3A_354 : memref<128x64xf32, #tpu.memory_space<vmem>>)
      %dma_wait3A_361 = arith.constant 128 : i32
      %dma_wait3A_362 = arith.constant 0 : i32
      %dma_wait3A_363 = tpu.memref_slice %arg7[%dma_wait3A_361, %dma_wait3A_362] : memref<512x64xf32, #tpu.memory_space<vmem>> -> memref<128x64xf32, #tpu.memory_space<vmem>>
      %dma_wait3A_364 = arith.constant 0 : i32
      %dma_wait3A_365 = tpu.memref_slice %arg5[%add3A_316, %dma_wait3A_364] : memref<200x128xi32, #tpu.memory_space<vmem>> -> memref<1x128xi32, #tpu.memory_space<vmem>>
      %dma_wait3A_366 = tpu.memref_squeeze %dma_wait3A_365 : memref<1x128xi32, #tpu.memory_space<vmem>> -> memref<128xi32, #tpu.memory_space<vmem>>
      %dma_wait3A_367 = arith.constant 0 : i32
      %dma_wait3A_368 = arith.constant 0 : i32
      %dma_wait3A_369 = tpu.memref_slice %arg3[%dma_wait3A_367, %dma_wait3A_368] : memref<1000000x64xf32, #tpu.memory_space<hbm>> -> memref<1000000x64xf32, #tpu.memory_space<hbm>>
      tpu.wait_indirect_dma semaphore(%arg8 : memref<!tpu.dma_semaphore, #tpu.memory_space<semaphore_mem>>) src(%dma_wait3A_369 : memref<1000000x64xf32, #tpu.memory_space<hbm>>) dst(%dma_wait3A_363 : memref<128x64xf32, #tpu.memory_space<vmem>>)
      %dma_wait3A_370 = arith.constant 256 : i32
      %dma_wait3A_371 = arith.constant 0 : i32
      %dma_wait3A_372 = tpu.memref_slice %arg7[%dma_wait3A_370, %dma_wait3A_371] : memref<512x64xf32, #tpu.memory_space<vmem>> -> memref<128x64xf32, #tpu.memory_space<vmem>>
      %dma_wait3A_373 = arith.constant 0 : i32
      %dma_wait3A_374 = tpu.memref_slice %arg5[%add3A_329, %dma_wait3A_373] : memref<200x128xi32, #tpu.memory_space<vmem>> -> memref<1x128xi32, #tpu.memory_space<vmem>>
      %dma_wait3A_375 = tpu.memref_squeeze %dma_wait3A_374 : memref<1x128xi32, #tpu.memory_space<vmem>> -> memref<128xi32, #tpu.memory_space<vmem>>
      %dma_wait3A_376 = arith.constant 0 : i32
      %dma_wait3A_377 = arith.constant 0 : i32
      %dma_wait3A_378 = tpu.memref_slice %arg3[%dma_wait3A_376, %dma_wait3A_377] : memref<1000000x64xf32, #tpu.memory_space<hbm>> -> memref<1000000x64xf32, #tpu.memory_space<hbm>>
      tpu.wait_indirect_dma semaphore(%arg8 : memref<!tpu.dma_semaphore, #tpu.memory_space<semaphore_mem>>) src(%dma_wait3A_378 : memref<1000000x64xf32, #tpu.memory_space<hbm>>) dst(%dma_wait3A_372 : memref<128x64xf32, #tpu.memory_space<vmem>>)
      %dma_wait3A_379 = arith.constant 384 : i32
      %dma_wait3A_380 = arith.constant 0 : i32
      %dma_wait3A_381 = tpu.memref_slice %arg7[%dma_wait3A_379, %dma_wait3A_380] : memref<512x64xf32, #tpu.memory_space<vmem>> -> memref<128x64xf32, #tpu.memory_space<vmem>>
      %dma_wait3A_382 = arith.constant 0 : i32
      %dma_wait3A_383 = tpu.memref_slice %arg5[%add3A_342, %dma_wait3A_382] : memref<200x128xi32, #tpu.memory_space<vmem>> -> memref<1x128xi32, #tpu.memory_space<vmem>>
      %dma_wait3A_384 = tpu.memref_squeeze %dma_wait3A_383 : memref<1x128xi32, #tpu.memory_space<vmem>> -> memref<128xi32, #tpu.memory_space<vmem>>
      %dma_wait3A_385 = arith.constant 0 : i32
      %dma_wait3A_386 = arith.constant 0 : i32
      %dma_wait3A_387 = tpu.memref_slice %arg3[%dma_wait3A_385, %dma_wait3A_386] : memref<1000000x64xf32, #tpu.memory_space<hbm>> -> memref<1000000x64xf32, #tpu.memory_space<hbm>>
      tpu.wait_indirect_dma semaphore(%arg8 : memref<!tpu.dma_semaphore, #tpu.memory_space<semaphore_mem>>) src(%dma_wait3A_387 : memref<1000000x64xf32, #tpu.memory_space<hbm>>) dst(%dma_wait3A_381 : memref<128x64xf32, #tpu.memory_space<vmem>>)
      %mul3A_388 = arith.constant 512 : i32
      %mul3A_389 = arith.muli %add3A_299, %mul3A_388 : i32
      %add3A_390 = arith.addi %mul3A_2, %mul3A_389 : i32
      %dma_start3A_391 = arith.constant 0 : i32
      %dma_start3A_392 = tpu.memref_slice %arg4[%add3A_390, %dma_start3A_391] : memref<819200x64xf32, #tpu.memory_space<hbm>> -> memref<512x64xf32, #tpu.memory_space<hbm>>
      %dma_start3A_393 = arith.constant 0 : i32
      %dma_start3A_394 = tpu.memref_slice %arg4[%add3A_390, %dma_start3A_393] : memref<819200x64xf32, #tpu.memory_space<hbm>> -> memref<512x64xf32, #tpu.memory_space<hbm>>
      tpu.enqueue_dma source(%arg7 : memref<512x64xf32, #tpu.memory_space<vmem>>) target(%dma_start3A_394 : memref<512x64xf32, #tpu.memory_space<hbm>>) target_semaphore(%arg9 : memref<!tpu.dma_semaphore, #tpu.memory_space<semaphore_mem>>)
      %scan3A_395 = arith.constant 0 : i32
      scf.yield %scan3A_395 : i32
    }
    %scan3A_178 = arith.constant 24 : i32
    %dma_wait3A_179 = arith.constant 0 : i32
    %dma_wait3A_180 = tpu.memref_slice %arg4[%mul3A_2, %dma_wait3A_179] : memref<819200x64xf32, #tpu.memory_space<hbm>> -> memref<512x64xf32, #tpu.memory_space<hbm>>
    %dma_wait3A_181 = arith.constant 0 : i32
    %dma_wait3A_182 = tpu.memref_slice %arg4[%mul3A_2, %dma_wait3A_181] : memref<819200x64xf32, #tpu.memory_space<hbm>> -> memref<512x64xf32, #tpu.memory_space<hbm>>
    tpu.wait_dma2 semaphore(%arg9 : memref<!tpu.dma_semaphore, #tpu.memory_space<semaphore_mem>>) src(%arg6 : memref<512x64xf32, #tpu.memory_space<vmem>>) dst(%dma_wait3A_182 : memref<512x64xf32, #tpu.memory_space<hbm>>)
    %dma_wait3A_183 = arith.constant 0 : i32
    %dma_wait3A_184 = tpu.memref_slice %arg4[%mul3A_2, %dma_wait3A_183] : memref<819200x64xf32, #tpu.memory_space<hbm>> -> memref<512x64xf32, #tpu.memory_space<hbm>>
    %dma_wait3A_185 = arith.constant 0 : i32
    %dma_wait3A_186 = tpu.memref_slice %arg4[%mul3A_2, %dma_wait3A_185] : memref<819200x64xf32, #tpu.memory_space<hbm>> -> memref<512x64xf32, #tpu.memory_space<hbm>>
    tpu.wait_dma2 semaphore(%arg9 : memref<!tpu.dma_semaphore, #tpu.memory_space<semaphore_mem>>) src(%arg7 : memref<512x64xf32, #tpu.memory_space<vmem>>) dst(%dma_wait3A_186 : memref<512x64xf32, #tpu.memory_space<hbm>>)
    return
  }
}

</mosaic_0001>

<sc_bundles>
// kernel: kernel.3.cloned.1.call-start
scs
__scs_entry_jumppad:
0x0: {  	(pc) =	sbr.rel $0x88, $3  }
0x1: {  	(tag) =	ssettag $0x0;
	lr =	simm.s32 $0x1  }
0x2: {  	[smem:$0x3F9C] =	sst lr;
	_ =	strace $0xD0000000  }
0x3: {  	_ = 	snop  }
0x4: {  	_ = 	snop  }
0x5: {  	_ = 	snop  }
0x6: {  	_ = 	snop  }
0x7: {  	_ = 	snop  }
__scs_overlays_trampoline_lowered:
0x8: {  	[smem:$0x3FAB] =	sst s0  }
0x9: {  	[smem:$0x3FAC] =	sst s1  }
0xa: {  	[smem:$0x3FAD] =	sst s2  }
0xb: {  	[smem:$0x3FAE] =	sst s3  }
0xc: {  	[smem:$0x3FAF] =	sst s4  }
0xd: {  	[smem:$0x3FB0] =	sst s5  }
0xe: {  	[smem:$0x3FB1] =	sst s6  }
0xf: {  	[smem:$0x3FB2] =	sst s7  }
0x10: {  	[smem:$0x3FB3] =	sst s8  }
0x11: {  	[smem:$0x3FB4] =	sst s9;
	s0 =	simm.s32 @!p0 $0x0  }
0x12: {  	s1 =	sld [smem:$0x3F9A];
	s0 =	simm.s32 @p0 $0x1  }
0x13: {  	[smem:$0x3FB5] =	sst s0;
	s0 =	simm.s32 @!p1 $0x0  }
0x14: {  	s2 =	sld [smem:$0x3F99];
	s0 =	simm.s32 @p1 $0x1  }
0x15: {  	[smem:$0x3FB6] =	sst s0;
	s0 =	simm.s32 @!p2 $0x0  }
0x16: {  	s3 =	sld [smem:$0x3FDB];
	s0 =	simm.s32 @p2 $0x1  }
0x17: {  	s4 =	simm.s32 $0x1BF5;
	[smem:$0x3FB8] =	sst s0  }
0x18: {  	s0 =	sld [smem:$0x3F9B];
	_ =	swait.ge [sflag:s4], $0x0  }
0x19: {  	s7 =	sld [smem:$0x3F9C]  }
0x1a: {  	s8 =	sadd.s32 $0xFFFFE003, lr  }
0x1b: {  	s9 =	sadd.s32 $0xFFFFFEF7, lr;
	s5 =	simm.s32 $0xFFFFFFFF;
	p2 =	slt.u32 s8, $0xFFFFF086  }
0x1c: {  	p1 =	slt.u32 s9, $0xF7A;
	s5 =	simm.s32 @!p2 $0x0  }
0x1d: {  	s5 =	simm.s32 @p1 $0x1;
	p0 =	seq.s32 s7, s2  }
0x1e: {  	s7 =	smul.u32 @!p0 $0xF7A, s2;
	p2 =	seq.s32 @!p0 s5, $0x0  }
0x1f: {  	s9 =	smul.u32 $0xF7A, s1;
	s8 =	simm.s32 @!p0 $0x1BF5;
	p2 =	por !p2, p0  }
0x20: {  	[sflag:s8] =	ssyncset.s32 @!p0 $0xFFFFF086;
	s6 =	sadd.s32 @!p0 s3, s7;
	s7 =	simm.s32 @!p0 $0x108  }
0x21: {  	s3 =	sadd.s32 s3, s9;
	s6 =	sadd.s32 @!p0 $0x88, s6;
	s7 =	simm.s32 @p2 $0x1082  }
0x22: {  	[simem:s7], [sflag:s8] =	dma.local @!p0 [hbm:s6], $0xF7A  }
0x23: {  	s9 =	sor.u32 $0xD0000000, s2;
	s6 =	simm.s32 $0x108;
	_ =	swait.ge @!p0 [sflag:s8], $0x0  }
0x24: {  	s3 =	sadd.s32 $0x88, s3;
	s6 =	simm.s32 @!p1 $0x1082;
	[sflag:s4] =	ssyncset.s32 $0xFFFFF086  }
0x25: {  	[simem:s6], [sflag:s4] =	dma.local [hbm:s3], $0xF7A  }
0x26: {  	[smem:$0x3F9C] =	sst s1;
	(tag) =	ssettag s2;
	_ =	strace s9  }
0x27: {  	s1 =	sld [smem:$0x3FAC]  }
0x28: {  	s2 =	sld [smem:$0x3FAD]  }
0x29: {  	s4 =	sld [smem:$0x3FAF]  }
0x2a: {  	p0 =	seq.s32 s5, $0x0;
	s5 =	sld [smem:$0x3FB0]  }
0x2b: {  	s6 =	sld [smem:$0x3FB1]  }
0x2c: {  	s7 =	sld [smem:$0x3FB2]  }
0x2d: {  	s3 =	simm.s32 $0x108;
	s8 =	sld [smem:$0x3FB3]  }
0x2e: {  	s3 =	simm.s32 @!p0 $0x1082;
	s9 =	sld [smem:$0x3FB4]  }
0x2f: {  	lr =	sadd.s32 s0, s3;
	s0 =	sld [smem:$0x3FAB]  }
0x30: {  	s3 =	sld [smem:$0x3FAE]  }
0x31: {  	[smem:$0x3FB7] =	sst s10  }
0x32: {  	s10 =	sld [smem:$0x3FB5];
	_ =	sdelay $0x3  }
0x33: {  	p0 =	seq.s32 s10, $0x1;
	s10 =	sld [smem:$0x3FB7];
	_ =	sdelay $0x3  }
0x34: {  	[smem:$0x3FB7] =	sst s10  }
0x35: {  	s10 =	sld [smem:$0x3FB6];
	_ =	sdelay $0x3  }
0x36: {  	p1 =	seq.s32 s10, $0x1;
	s10 =	sld [smem:$0x3FB7];
	_ =	sdelay $0x3  }
0x37: {  	[smem:$0x3FB7] =	sst s10  }
0x38: {  	s10 =	sld [smem:$0x3FB8]  }
0x39: {  	_ = 	snop;
	(pc) =	sbr.ind lr, $3  }
0x3a: {  	_ = 	snop  }
0x3b: {  	_ = 	snop  }
0x3c: {  	p2 =	seq.s32 s10, $0x1;
	s10 =	sld [smem:$0x3FB7]  }
0x3d: {  	_ =	shalt  }
0x3e: {  	_ =	shalt  }
0x3f: {  	_ =	shalt  }
0x40: {  	_ =	shalt  }
0x41: {  	_ =	shalt  }
0x42: {  	_ =	shalt  }
0x43: {  	_ =	shalt  }
0x44: {  	_ =	shalt  }
0x45: {  	_ =	shalt  }
0x46: {  	_ =	shalt  }
0x47: {  	_ =	shalt  }
0x48: {  	_ =	shalt  }
0x49: {  	_ =	shalt  }
0x4a: {  	_ =	shalt  }
0x4b: {  	_ =	shalt  }
0x4c: {  	_ =	shalt  }
0x4d: {  	_ =	shalt  }
0x4e: {  	_ =	shalt  }
0x4f: {  	_ =	shalt  }
0x50: {  	_ =	shalt  }
0x51: {  	_ =	shalt  }
0x52: {  	_ =	shalt  }
0x53: {  	_ =	shalt  }
0x54: {  	_ =	shalt  }
0x55: {  	_ =	shalt  }
0x56: {  	_ =	shalt  }
0x57: {  	_ =	shalt  }
0x58: {  	_ =	shalt  }
0x59: {  	_ =	shalt  }
0x5a: {  	_ =	shalt  }
0x5b: {  	_ =	shalt  }
0x5c: {  	_ =	shalt  }
0x5d: {  	_ =	shalt  }
0x5e: {  	_ =	shalt  }
0x5f: {  	_ =	shalt  }
0x60: {  	_ =	shalt  }
0x61: {  	_ =	shalt  }
0x62: {  	_ =	shalt  }
0x63: {  	_ =	shalt  }
0x64: {  	_ =	shalt  }
0x65: {  	_ =	shalt  }
0x66: {  	_ =	shalt  }
0x67: {  	_ =	shalt  }
0x68: {  	_ =	shalt  }
0x69: {  	_ =	shalt  }
0x6a: {  	_ =	shalt  }
0x6b: {  	_ =	shalt  }
0x6c: {  	_ =	shalt  }
0x6d: {  	_ =	shalt  }
0x6e: {  	_ =	shalt  }
0x6f: {  	_ =	shalt  }
0x70: {  	_ =	shalt  }
0x71: {  	_ =	shalt  }
0x72: {  	_ =	shalt  }
0x73: {  	_ =	shalt  }
0x74: {  	_ =	shalt  }
0x75: {  	_ =	shalt  }
0x76: {  	_ =	shalt  }
0x77: {  	_ =	shalt  }
0x78: {  	_ =	shalt  }
0x79: {  	_ =	shalt  }
0x7a: {  	_ =	shalt  }
0x7b: {  	_ =	shalt  }
0x7c: {  	_ =	shalt  }
0x7d: {  	_ =	shalt  }
0x7e: {  	_ =	shalt  }
0x7f: {  	_ =	shalt  }
0x80: {  	_ =	shalt  }
0x81: {  	_ =	shalt  }
0x82: {  	_ =	shalt  }
0x83: {  	_ =	shalt  }
0x84: {  	_ =	shalt  }
0x85: {  	_ =	shalt  }
0x86: {  	_ =	shalt  }
0x87: {  	_ =	shalt  }
.Lfunc_end0:
.L_simem_size_0:
called_computation_lowered:
.L_overlay_start_0:
0x88: {  	s2 =	sld [smem:$0x3FD9]  }
0x89: {  	s3 =	sld [smem:$0x3FFE];
	_ =	sdelay $0x1  }
0x8a: {  	s1 =	srdreg.scid  }
0x8b: {  	s0 =	sand.u32 $0x1, s1  }
0x8c: {  	s17 =	sshll.u32 s0, $0xA;
	s2 =	sadd.s32 s3, s2  }
0x8d: {  	s2 =	sadd.s32 s2, s17  }
0x8e: {  	[smem:$0x3FC3] =	sst s2  }
0x8f: {  	_ = 	snop  }
0x90: {  	s2 =	sld [smem:$0x3FD0];
	(tm) =	ssettm $0x1  }
0x91: {  	s18 =	sld [smem:$0x3FFB];
	_ =	sdelay $0x3  }
0x92: {  	_ =	strace s18  }
0x93: {  	s3 =	sld [smem:$0x3FFC];
	_ =	sdelay $0x3  }
0x94: {  	_ =	strace s3  }
0x95: {  	s3 =	sld [smem:$0x3FFD];
	_ =	sdelay $0x3  }
0x96: {  	_ =	strace s3  }
0x97: {  	_ =	strace $0x8FFFFFFF  }
0x98: {  	s19 =	sld [smem:$0x3FDB];
	_ =	sdelay $0x1  }
0x99: {  	s4 =	simm.s32 $_scs_section_size  }
0x9a: {  	s5 =	simm.s32 $_size__tile_overlayer_lowered;
	s6 =	simm.s32 $_tile_overlayer_lowered  }
0x9b: {  	s22 =	simm.s32 $0x1BFF;
	s21 =	sshll.u32 s6, $0x1;
	s3 =	sadd.s32 s4, s19  }
0x9c: {  	s7 =	simm.s32 $0x0;
	s20 =	sshll.u32 s5, $0x1;
	s5 =	sadd.s32 s21, s3  }
0x9d: {  	[timem:s7], [sflag:s22] =	dma.local [hbm:s5], s20  }
0x9e: {  	_ =	swait.ge [sflag:s22], s20  }
0x9f: {  	s4 =	ssub.s32 $0x0, s20;
	[sflag:s22] =	ssyncset.done $0x0  }
0xa0: {  	[sflag:s22] =	ssyncadd.s32 s4;
	_ =	sdelay $0x1  }
0xa1: {  	s23 =	simm.s32 $0x1B8B  }
0xa2: {  	_ =	swait.ge [sflag:s23], $0x1  }
0xa3: {  	[sflag:s23] =	ssyncset.done $0x0  }
0xa4: {  	s25 =	simm.s32 $0x1B8E;
	s24 =	sld [smem:$0x3FFE];
	[sflag:s23] =	ssyncadd.s32 $0xFFFFFFFF  }
0xa5: {  	s26 =	simm.s32 $execute0_lowered;
	[smem:$0x3FD2] =	sst s25  }
0xa6: {  	s5 =	sshll.u32 s26, $0x1;
	_ =	strace $0x80000046;
	[dreg:$0x1] =	wrdreg $0xFFFFFFFF  }
0xa7: {  	s28 =	simm.s32 $_size_execute0_lowered;
	s3 =	sadd.s32 s3, s5;
	[dreg:$0x0] =	wrdreg $0x0  }
0xa8: {  	s5 =	sshll.u32 s28, $0x1;
	[dreg:$0x2] =	wrdreg s3  }
0xa9: {  	[dreg:$0x3] =	wrdreg s5  }
0xaa: {  	[dreg:$0x4] =	wrdreg $0xC0  }
0xab: {  	_ =	task [dreg:s7], $0x5FFFF  }
0xac: {  	[dreg:$0x1] =	wrdreg $0xFFFFFFFF  }
0xad: {  	[dreg:$0x0] =	wrdreg $0x60  }
0xae: {  	[dreg:$0x2] =	wrdreg s24  }
0xaf: {  	[dreg:$0x3] =	wrdreg s2  }
0xb0: {  	[dreg:$0x4] =	wrdreg $0x9  }
0xb1: {  	_ =	task.clear_ibuf [dreg:s7], $0x5FFFF;
	_ =	strace $0x90000046  }
0xb2: {  	s29 =	simm.s32 $0x9;
	_ =	strace $0x80000048  }
0xb3: {  	_ =	swait.ge [sflag:s29], $0x1  }
0xb4: {  	[sflag:s29] =	ssyncadd.s32 $0xFFFFFFFF  }
0xb5: {  	_ =	strace $0x90000048  }
0xb6: {  	_ =	sfence  }
0xb7: {  	s30 =	sld [smem:$0x0];
	_ =	sdelay $0x2  }
0xb8: {  	s31 =	sshll.u32 s1, $0xD;
	s1 =	sshrl.u32 s1, $0x2  }
0xb9: {  	s3 =	sand.u32 $0x4000, s31;
	s1 =	sadd.s32 s1, s30  }
0xba: {  	s0 =	sor.u32 s3, s0;
	s1 =	sshll.u32 s1, $0x11  }
0xbb: {  	s0 =	sor.u32 s1, s0  }
0xbc: {  	s0 =	sadd.s32 $0x8F2B, s0  }
0xbd: {  	[sflag:s0] =	ssyncadd.remote.s32 $0x1  }
0xbe: {  	_ =	sfence.sel $0xFFFF  }
0xbf: {  	[dreg:$0x0] =	wrdreg $0xFFFFFFFF;
	(pc) =	sbr.abs _section_cstart, $3  }
0xc0: {  	[dreg:$0x1] =	wrdreg $0xFFFFFFFF  }
0xc1: {  	_ =	task.clear_ibuf [dreg:s7], $0x2FFFF;
	_ =	strace $0x9FFFFFFF  }
0xc2: {  	(tm) =	ssettm $0x7FFFFFFF  }
0xc3: {  	_ =	shalt  }
tec
execute0_lowered:
.L_overlay_start_1:
0x0: {  	(tag) =	ssettag $0x1  }
0x1: {  	s0 =	srdreg.scid;
	s1 =	rddreg [dreg:$0x0]  }
0x2: {  	s6 =	stileid.u32;
	s2 =	rddreg [dreg:$0x1];
	s11 =	simm.s32 $0x3  }
0x3: {  	s12 =	simm.s32 $0x80;
	s13 =	simm.s32 $0x6400;
	s14 =	simm.s32 $0x8400  }
0x4: {  	s16 =	simm.s32 $0xA400;
	s18 =	simm.s32 $0xC400;
	s19 =	simm.s32 $0x1  }
0x5: {  	s21 =	simm.s32 $0xE400;
	s22 =	simm.s32 $0x280;
	s23 =	simm.s32 $0x10400  }
0x6: {  	s24 =	simm.s32 $0x300;
	s28 =	simm.s32 $0x14400;
	s29 =	simm.s32 $0x2  }
0x7: {  	s0 =	sand.u32 $0x1, s0;
	s3 =	sshll.u32 s6, $0x1;
	s6 =	smul.u32 $0x320000, s6  }
0x8: {  	s4 =	sor.u32 s0, s3;
	s7 =	ssub.s32 $0x2, s0;
	s0 =	smul.u32 $0x190000, s0  }
0x9: {  	s30 =	simm.s32 $0x0;
	s3 =	simm.s32 $0x0;
	s5 =	smul.u32 $0xC80, s4  }
0xa: {  	[smem:$0x7FF] =	sst s3;
	s8 =	sshrl.u32 s7, $0x1;
	s9 =	smul.u32 $0x32000, s4  }
0xb: {  	s4 =	sadd.s32 $0xF43000, s1;
	_ =	strace $0x80000047;
	s25 =	ssub.s32 s7, s8  }
0xc: {  	s0 =	sadd.s32 s0, s6;
	s5 =	sadd.s32 s5, s1;
	s6 =	sadd.s32 s2, s9  }
0xd: {  	s26 =	sadd.s32 $0x18000, s0;
	s8 =	smax.u32 s25, $0x1;
	s9 =	sadd.s32 $0x10000, s0  }
0xe: {  	s25 =	simm.s32 $0x12400;
	s5 =	sadd.s32 $0xC00, s5;
	s31 =	sshrl.u32 s26, $0x3  }
0xf: {  	s7 =	sadd.s32 $0x1000, s6;
	s26 =	simm.s32 $0x380;
	s15 =	sadd.s32 s31, s2  }
.LBB2_1:
0x10: {  	[tilespmem:s3], [sflag:$0x3] =	stream.linear.gather [hbm4b:s5+s3], $0x6400, $0x38;
	[tilespmem:$0x16400] =	vst v63  }
0x11: {  	_ =	swait.ge [sflag:s11], $0x6400  }
0x12: {  	[sflag:s11] =	ssyncset.done $0x0  }
0x13: {  	[sflag:s11] =	ssyncadd.s32 $0xFFFF9C00  }
0x14: {  	[tilespmem:s13], [sflag:$0x1] =	stream.indirect.gather [hbm4b:s4+s12], $0x40, s3, s12, $0xb8;
	[tilespmem:$0x16400] =	vst v63  }
0x15: {  	_ = 	snop  }
0x16: {  	[tilespmem:s14], [sflag:$0x1] =	stream.indirect.gather [hbm4b:s4+s12], $0x40, s12, s12, $0xb8;
	[tilespmem:$0x16400] =	vst v63  }
0x17: {  	s0 =	simm.s32 $0x100  }
0x18: {  	[tilespmem:s16], [sflag:$0x1] =	stream.indirect.gather [hbm4b:s4+s12], $0x40, s0, s12, $0xb8;
	[tilespmem:$0x16400] =	vst v63  }
0x19: {  	s10 =	simm.s32 $0x180  }
0x1a: {  	[tilespmem:s18], [sflag:$0x1] =	stream.indirect.gather [hbm4b:s4+s12], $0x40, s10, s12, $0xb8;
	[tilespmem:$0x16400] =	vst v63  }
0x1b: {  	_ =	swait.ge [sflag:s19], $0x2000  }
0x1c: {  	[sflag:s19] =	ssyncset.done $0x0  }
0x1d: {  	[sflag:s19] =	ssyncadd.s32 $0xFFFFE000  }
0x1e: {  	_ =	swait.ge [sflag:s19], $0x2000  }
0x1f: {  	[sflag:s19] =	ssyncset.done $0x0  }
0x20: {  	[sflag:s19] =	ssyncadd.s32 $0xFFFFE000  }
0x21: {  	_ =	swait.ge [sflag:s19], $0x2000  }
0x22: {  	[sflag:s19] =	ssyncset.done $0x0  }
0x23: {  	[sflag:s19] =	ssyncadd.s32 $0xFFFFE000  }
0x24: {  	_ =	swait.ge [sflag:s19], $0x2000  }
0x25: {  	[sflag:s19] =	ssyncset.done $0x0  }
0x26: {  	[sflag:s19] =	ssyncadd.s32 $0xFFFFE000  }
0x27: {  	[hbm4b:s6+s3] =	stream.linear.scatter [tilespmem:s13], [sflag:$0x2], $0x8000, $0x38;
	[tilespmem:$0x16400] =	vst v63  }
0x28: {  	s17 =	simm.s32 $0x200  }
0x29: {  	[tilespmem:s21], [sflag:$0x1] =	stream.indirect.gather [hbm4b:s4+s12], $0x40, s17, s12, $0xb8;
	[tilespmem:$0x16400] =	vst v63  }
0x2a: {  	_ = 	snop  }
0x2b: {  	[tilespmem:s23], [sflag:$0x1] =	stream.indirect.gather [hbm4b:s4+s12], $0x40, s22, s12, $0xb8;
	[tilespmem:$0x16400] =	vst v63  }
0x2c: {  	_ = 	snop  }
0x2d: {  	[tilespmem:s25], [sflag:$0x1] =	stream.indirect.gather [hbm4b:s4+s12], $0x40, s24, s12, $0xb8;
	[tilespmem:$0x16400] =	vst v63  }
0x2e: {  	_ = 	snop  }
0x2f: {  	[tilespmem:s28], [sflag:$0x1] =	stream.indirect.gather [hbm4b:s4+s12], $0x40, s26, s12, $0xb8;
	[tilespmem:$0x16400] =	vst v63  }
0x30: {  	_ =	swait.ge [sflag:s19], $0x2000  }
0x31: {  	[sflag:s19] =	ssyncset.done $0x0  }
0x32: {  	[sflag:s19] =	ssyncadd.s32 $0xFFFFE000  }
0x33: {  	_ =	swait.ge [sflag:s19], $0x2000  }
0x34: {  	[sflag:s19] =	ssyncset.done $0x0  }
0x35: {  	[sflag:s19] =	ssyncadd.s32 $0xFFFFE000  }
0x36: {  	_ =	swait.ge [sflag:s19], $0x2000  }
0x37: {  	[sflag:s19] =	ssyncset.done $0x0  }
0x38: {  	[sflag:s19] =	ssyncadd.s32 $0xFFFFE000  }
0x39: {  	_ =	swait.ge [sflag:s19], $0x2000  }
0x3a: {  	[sflag:s19] =	ssyncset.done $0x0  }
0x3b: {  	[sflag:s19] =	ssyncadd.s32 $0xFFFFE000  }
0x3c: {  	[hbm4b:s7+s3] =	stream.linear.scatter [tilespmem:s21], [sflag:$0x2], $0x8000, $0x38;
	[tilespmem:$0x16400] =	vst v63  }
0x3d: {  	_ =	swait.ge [sflag:s29], $0x8000  }
0x3e: {  	[sflag:s29] =	ssyncset.done $0x0  }
0x3f: {  	s20 =	simm.s32 $0x400;
	[sflag:s29] =	ssyncadd.s32 $0xFFFF8000  }
0x40: {  	[tilespmem:s13], [sflag:$0x1] =	stream.indirect.gather [hbm4b:s4+s12], $0x40, s20, s12, $0xb8;
	[tilespmem:$0x16400] =	vst v63  }
0x41: {  	s1 =	simm.s32 $0x480  }
0x42: {  	[tilespmem:s14], [sflag:$0x1] =	stream.indirect.gather [hbm4b:s4+s12], $0x40, s1, s12, $0xb8;
	[tilespmem:$0x16400] =	vst v63  }
0x43: {  	s10 =	simm.s32 $0x500  }
0x44: {  	[tilespmem:s16], [sflag:$0x1] =	stream.indirect.gather [hbm4b:s4+s12], $0x40, s10, s12, $0xb8;
	[tilespmem:$0x16400] =	vst v63  }
0x45: {  	s17 =	simm.s32 $0x580  }
0x46: {  	[tilespmem:s18], [sflag:$0x1] =	stream.indirect.gather [hbm4b:s4+s12], $0x40, s17, s12, $0xb8;
	[tilespmem:$0x16400] =	vst v63  }
0x47: {  	_ =	swait.ge [sflag:s19], $0x2000  }
0x48: {  	[sflag:s19] =	ssyncset.done $0x0  }
0x49: {  	[sflag:s19] =	ssyncadd.s32 $0xFFFFE000  }
0x4a: {  	_ =	swait.ge [sflag:s19], $0x2000  }
0x4b: {  	[sflag:s19] =	ssyncset.done $0x0  }
0x4c: {  	[sflag:s19] =	ssyncadd.s32 $0xFFFFE000  }
0x4d: {  	_ =	swait.ge [sflag:s19], $0x2000  }
0x4e: {  	[sflag:s19] =	ssyncset.done $0x0  }
0x4f: {  	[sflag:s19] =	ssyncadd.s32 $0xFFFFE000  }
0x50: {  	_ =	swait.ge [sflag:s19], $0x2000  }
0x51: {  	s20 =	sshrl.u32 s9, $0x3;
	[sflag:s19] =	ssyncset.done $0x0  }
0x52: {  	s0 =	sadd.s32 s2, s20;
	[sflag:s19] =	ssyncadd.s32 $0xFFFFE000  }
0x53: {  	[hbm4b:s0+s3] =	stream.linear.scatter [tilespmem:s13], [sflag:$0x2], $0x8000, $0x38;
	[tilespmem:$0x16400] =	vst v63  }
0x54: {  	_ =	swait.ge [sflag:s29], $0x8000  }
0x55: {  	[sflag:s29] =	ssyncset.done $0x0  }
0x56: {  	s1 =	simm.s32 $0x600;
	[sflag:s29] =	ssyncadd.s32 $0xFFFF8000  }
0x57: {  	[tilespmem:s21], [sflag:$0x1] =	stream.indirect.gather [hbm4b:s4+s12], $0x40, s1, s12, $0xb8;
	[tilespmem:$0x16400] =	vst v63  }
0x58: {  	s10 =	simm.s32 $0x680  }
0x59: {  	[tilespmem:s23], [sflag:$0x1] =	stream.indirect.gather [hbm4b:s4+s12], $0x40, s10, s12, $0xb8;
	[tilespmem:$0x16400] =	vst v63  }
0x5a: {  	s17 =	simm.s32 $0x700  }
0x5b: {  	[tilespmem:s25], [sflag:$0x1] =	stream.indirect.gather [hbm4b:s4+s12], $0x40, s17, s12, $0xb8;
	[tilespmem:$0x16400] =	vst v63  }
0x5c: {  	s20 =	simm.s32 $0x780  }
0x5d: {  	[tilespmem:s28], [sflag:$0x1] =	stream.indirect.gather [hbm4b:s4+s12], $0x40, s20, s12, $0xb8;
	[tilespmem:$0x16400] =	vst v63  }
0x5e: {  	_ =	swait.ge [sflag:s19], $0x2000  }
0x5f: {  	[sflag:s19] =	ssyncset.done $0x0  }
0x60: {  	[sflag:s19] =	ssyncadd.s32 $0xFFFFE000  }
0x61: {  	_ =	swait.ge [sflag:s19], $0x2000  }
0x62: {  	[sflag:s19] =	ssyncset.done $0x0  }
0x63: {  	[sflag:s19] =	ssyncadd.s32 $0xFFFFE000  }
0x64: {  	_ =	swait.ge [sflag:s19], $0x2000  }
0x65: {  	[sflag:s19] =	ssyncset.done $0x0  }
0x66: {  	[sflag:s19] =	ssyncadd.s32 $0xFFFFE000  }
0x67: {  	_ =	swait.ge [sflag:s19], $0x2000  }
0x68: {  	s31 =	simm.s32 $0x1000;
	s0 =	sadd.s32 $0x2000, s15;
	[sflag:s19] =	ssyncset.done $0x0  }
0x69: {  	s1 =	sadd.s32 $0x10000, s9;
	s10 =	smov.u32 s15;
	[sflag:s19] =	ssyncadd.s32 $0xFFFFE000  }
.LBB2_2:
0x6a: {  	[hbm4b:s10+s3] =	stream.linear.scatter [tilespmem:s21], [sflag:$0x2], $0x8000, $0x38;
	[tilespmem:$0x16400] =	vst v63  }
0x6b: {  	s17 =	smov.u32 s31;
	s10 =	smov.u32 s0  }
0x6c: {  	p0 =	sne.s32 s31, $0x17000;
	s31 =	sadd.s32 $0x1000, s31;
	_ =	swait.ge [sflag:s29], $0x8000  }
0x6d: {  	s17 =	sshra.s32 s17, $0x2;
	[sflag:s29] =	ssyncset.done $0x0  }
0x6e: {  	s20 =	sadd.s32 $0x400, s17;
	[sflag:s29] =	ssyncadd.s32 $0xFFFF8000  }
0x6f: {  	[tilespmem:s13], [sflag:$0x1] =	stream.indirect.gather [hbm4b:s4+s12], $0x40, s20, s12, $0xb8;
	[tilespmem:$0x16400] =	vst v63  }
0x70: {  	s20 =	sadd.s32 $0x480, s17  }
0x71: {  	[tilespmem:s14], [sflag:$0x1] =	stream.indirect.gather [hbm4b:s4+s12], $0x40, s20, s12, $0xb8;
	[tilespmem:$0x16400] =	vst v63  }
0x72: {  	s20 =	sadd.s32 $0x500, s17  }
0x73: {  	[tilespmem:s16], [sflag:$0x1] =	stream.indirect.gather [hbm4b:s4+s12], $0x40, s20, s12, $0xb8;
	[tilespmem:$0x16400] =	vst v63  }
0x74: {  	s20 =	sadd.s32 $0x580, s17  }
0x75: {  	[tilespmem:s18], [sflag:$0x1] =	stream.indirect.gather [hbm4b:s4+s12], $0x40, s20, s12, $0xb8;
	[tilespmem:$0x16400] =	vst v63  }
0x76: {  	_ =	swait.ge [sflag:s19], $0x2000  }
0x77: {  	[sflag:s19] =	ssyncset.done $0x0  }
0x78: {  	[sflag:s19] =	ssyncadd.s32 $0xFFFFE000  }
0x79: {  	_ =	swait.ge [sflag:s19], $0x2000  }
0x7a: {  	[sflag:s19] =	ssyncset.done $0x0  }
0x7b: {  	[sflag:s19] =	ssyncadd.s32 $0xFFFFE000  }
0x7c: {  	_ =	swait.ge [sflag:s19], $0x2000  }
0x7d: {  	[sflag:s19] =	ssyncset.done $0x0  }
0x7e: {  	[sflag:s19] =	ssyncadd.s32 $0xFFFFE000  }
0x7f: {  	_ =	swait.ge [sflag:s19], $0x2000  }
0x80: {  	s20 =	sshrl.u32 s1, $0x3;
	[sflag:s19] =	ssyncset.done $0x0  }
0x81: {  	s20 =	sadd.s32 s2, s20;
	[sflag:s19] =	ssyncadd.s32 $0xFFFFE000  }
0x82: {  	[hbm4b:s20+s3] =	stream.linear.scatter [tilespmem:s13], [sflag:$0x2], $0x8000, $0x38;
	[tilespmem:$0x16400] =	vst v63  }
0x83: {  	_ =	swait.ge [sflag:s29], $0x8000  }
0x84: {  	[sflag:s29] =	ssyncset.done $0x0  }
0x85: {  	s20 =	sadd.s32 $0x600, s17;
	[sflag:s29] =	ssyncadd.s32 $0xFFFF8000  }
0x86: {  	[tilespmem:s21], [sflag:$0x1] =	stream.indirect.gather [hbm4b:s4+s12], $0x40, s20, s12, $0xb8;
	[tilespmem:$0x16400] =	vst v63  }
0x87: {  	s20 =	sadd.s32 $0x680, s17  }
0x88: {  	[tilespmem:s23], [sflag:$0x1] =	stream.indirect.gather [hbm4b:s4+s12], $0x40, s20, s12, $0xb8;
	[tilespmem:$0x16400] =	vst v63  }
0x89: {  	s20 =	sadd.s32 $0x700, s17  }
0x8a: {  	[tilespmem:s25], [sflag:$0x1] =	stream.indirect.gather [hbm4b:s4+s12], $0x40, s20, s12, $0xb8;
	[tilespmem:$0x16400] =	vst v63  }
0x8b: {  	s17 =	sadd.s32 $0x780, s17  }
0x8c: {  	[tilespmem:s28], [sflag:$0x1] =	stream.indirect.gather [hbm4b:s4+s12], $0x40, s17, s12, $0xb8;
	[tilespmem:$0x16400] =	vst v63  }
0x8d: {  	_ =	swait.ge [sflag:s19], $0x2000  }
0x8e: {  	[sflag:s19] =	ssyncset.done $0x0  }
0x8f: {  	[sflag:s19] =	ssyncadd.s32 $0xFFFFE000  }
0x90: {  	_ =	swait.ge [sflag:s19], $0x2000  }
0x91: {  	[sflag:s19] =	ssyncset.done $0x0  }
0x92: {  	[sflag:s19] =	ssyncadd.s32 $0xFFFFE000  }
0x93: {  	_ =	swait.ge [sflag:s19], $0x2000  }
.Ltmp0:
0x94: {  	[sflag:s19] =	ssyncset.done $0x0;
	(pc) =	sbr.rel @p0 .LBB2_2-.Ltmp0, $4  }
0x95: {  	[sflag:s19] =	ssyncadd.s32 $0xFFFFE000  }
0x96: {  	_ =	swait.ge [sflag:s19], $0x2000  }
0x97: {  	[sflag:s19] =	ssyncset.done $0x0  }
0x98: {  	s0 =	sadd.s32 $0x2000, s0;
	s1 =	sadd.s32 $0x10000, s1;
	[sflag:s19] =	ssyncadd.s32 $0xFFFFE000  }
0x99: {  	[hbm4b:s10+s3] =	stream.linear.scatter [tilespmem:s21], [sflag:$0x2], $0x8000, $0x38;
	[tilespmem:$0x16400] =	vst v63  }
0x9a: {  	s30 =	sadd.s32 $0x1, s30  }
0x9b: {  	_ =	swait.ge [sflag:s29], $0x8000;
	p0 =	sne.s32 s30, s8  }
.Ltmp1:
0x9c: {  	[sflag:s29] =	ssyncset.done $0x0;
	(pc) =	sbr.rel @p0 .LBB2_1-.Ltmp1, $4  }
0x9d: {  	[sflag:s29] =	ssyncadd.s32 $0xFFFF8000  }
0x9e: {  	_ =	swait.ge [sflag:s29], $0x8000  }
0x9f: {  	[sflag:s29] =	ssyncset.done $0x0  }
0xa0: {  	[sflag:s29] =	ssyncadd.s32 $0xFFFF8000  }
0xa1: {  	_ =	sfence.sel $0x180000  }
0xa2: {  	[bflag:$0x0] =	sbarrier.arrive $0xFFFF  }
0xa3: {  	_ =	strace $0x90000047  }
0xa4: {  	s0 =	stileid.u32;
	[bflag:$0x2] =	sbarrier.arrive $0xFFFF  }
0xa5: {  	p0 =	sne.s32 s0, $0x0;
	s0 =	rddreg [dreg:$0x2]  }
0xa6: {  	s0 =	sadd.s32 @!p0 $0x100000, s0  }
0xa7: {  	[sflag:s0] =	ssyncadd.tile.s32 @!p0 $0x1;
	_ =	shalt  }
.Lfunc_end2:
_tile_overlayer_lowered:
.L_overlay_start_2:
0xa8: {  	(tag) =	ssettag $0x2  }
0xa9: {  	s0 =	rddreg [dreg:$0x0];
	s2 =	stileid.u32  }
0xaa: {  	s1 =	rddreg [dreg:$0x1];
	p0 =	sne.s32 s2, $0x0  }
0xab: {  	s3 =	rddreg [dreg:$0x2];
	[bflag:$0x3] =	sbarrier.arrive $0xFFFF;
	s2 =	simm.s32 @!p0 $0x1C03  }
0xac: {  	[timem:s3], [sflag:s2] =	dma.local @!p0 [hbm:s0], s1  }
0xad: {  	s0 =	simm.s32 @!p0 $0x3  }
0xae: {  	_ =	swait.ge @!p0 [sflag:s0], s1  }
0xaf: {  	s1 =	ssub.s32 @!p0 $0x0, s1;
	[sflag:s0] =	ssyncset.done @!p0 $0x0  }
0xb0: {  	[sflag:s0] =	ssyncadd.s32 @!p0 s1  }
0xb1: {  	[bflag:$0x3] =	sbarrier.arrive $0xFFFF  }
0xb2: {  	_ =	shalt  }

</sc_bundles>
